<compile_context>
chip_gen: v7x
topology: tpu7x:2x2x1
jax: 0.10.2.dev20260603
libtpu: 0.0.44.dev20260713+nightly
codegen_flags: <defaults>
</compile_context>

<pallas_src>
import jax
import jax.numpy as jnp
from jax.experimental import pallas as pl
from jax.experimental.pallas import tpu as pltpu

N_EDGES = 800000
BATCH = 16
NUM_RES_TYPES = 20
NUM_RELATION = 7
MAX_SEQ_DIST = 10
FDIM = 2 * NUM_RES_TYPES + NUM_RELATION + (MAX_SEQ_DIST + 1) + 1

BLK = 1600
NB = N_EDGES // BLK


def _rank_body(key_ref, estart_ref, p_ref, run_ref):
    i = pl.program_id(0)

    @pl.when(i == 0)
    def _init():
        run_ref[:, :] = jnp.zeros((8, BATCH), jnp.float32)

    key = key_ref[0, 0, :].reshape(BLK, 1)
    gcols = jax.lax.broadcasted_iota(jnp.int32, (1, BATCH), 1)
    onehot = (key == gcols).astype(jnp.float32)
    rows = jax.lax.broadcasted_iota(jnp.int32, (BLK, BLK), 0)
    colsb = jax.lax.broadcasted_iota(jnp.int32, (BLK, BLK), 1)
    tril = (colsb < rows).astype(jnp.float32)
    excl = jax.lax.dot(tril, onehot, precision=jax.lax.Precision.DEFAULT)
    base = run_ref[0:1, :] + estart_ref[0, 0, :].reshape(1, BATCH).astype(jnp.float32)
    p = jnp.sum((excl + base) * onehot, axis=1)
    p_ref[0, 0, :] = p.astype(jnp.int32)
    run_ref[0:1, :] = run_ref[0:1, :] + jnp.sum(onehot, axis=0, keepdims=True)


def _feature_body(tin_ref, tout_ref, rel_ref, seq_ref, dx_ref, dy_ref, dz_ref,
                  estart_ref, nstart_ref, feat_ref, off_ref):
    tin = tin_ref[0, 0, :].reshape(BLK, 1)
    tout = tout_ref[0, 0, :].reshape(BLK, 1)
    rel = rel_ref[0, 0, :].reshape(BLK, 1)
    seq = seq_ref[0, 0, :].reshape(BLK, 1)
    dx = dx_ref[0, 0, :].reshape(BLK, 1)
    dy = dy_ref[0, 0, :].reshape(BLK, 1)
    dz = dz_ref[0, 0, :].reshape(BLK, 1)

    cols = jax.lax.broadcasted_iota(jnp.int32, (1, FDIM), 1)
    onehot = ((cols == tin) | (cols == tout + NUM_RES_TYPES)
              | (cols == rel + 2 * NUM_RES_TYPES)
              | (cols == seq + 2 * NUM_RES_TYPES + NUM_RELATION))
    sp = jnp.sqrt(dx * dx + dy * dy + dz * dz + 1e-12)
    feat = jnp.where(cols == FDIM - 1, sp, onehot.astype(jnp.float32))
    feat_ref[:, :] = feat

    i = pl.program_id(0)
    j = i * BLK + jax.lax.broadcasted_iota(jnp.int32, (BLK, 1), 0)
    estart = estart_ref[0, 0, :].reshape(1, BATCH)
    nstart = nstart_ref[0, 0, :].reshape(1, BATCH)
    g = jnp.sum((j >= estart).astype(jnp.int32), axis=1, keepdims=True) - 1
    gcols = jax.lax.broadcasted_iota(jnp.int32, (1, BATCH), 1)
    off = jnp.sum(jnp.where(gcols == g, nstart, 0), axis=1)
    off_ref[0, 0, :] = off


def _r3(x):
    return x.reshape(NB, 1, BLK)


@jax.jit
def kernel(node_position, atom2residue, residue_type, node2graph, edge_index, edge_rel):
    node_in0 = edge_index[0]
    node_out0 = edge_index[1]
    edge2graph = node2graph[node_in0]

    num_edges = jnp.bincount(edge2graph, length=BATCH).astype(jnp.int32)
    num_nodes = jnp.bincount(node2graph, length=BATCH).astype(jnp.int32)
    nstart = jnp.cumsum(num_nodes) - num_nodes
    estart = jnp.cumsum(num_edges) - num_edges

    spec1 = pl.BlockSpec((1, 1, BLK), lambda i: (i, 0, 0))
    spec16 = pl.BlockSpec((1, 1, BATCH), lambda i: (0, 0, 0))

    p3 = pl.pallas_call(
        _rank_body,
        grid=(NB,),
        in_specs=[spec1, spec16],
        out_specs=spec1,
        out_shape=jax.ShapeDtypeStruct((NB, 1, BLK), jnp.int32),
        scratch_shapes=[pltpu.VMEM((8, BATCH), jnp.float32)],
    )(_r3(edge2graph), estart.reshape(1, 1, BATCH))
    p = p3.reshape(N_EDGES)

    rin0 = atom2residue[node_in0]
    rout0 = atom2residue[node_out0]
    tin0 = residue_type[rin0]
    tout0 = residue_type[rout0]
    seqd0 = jnp.clip(jnp.abs(rin0 - rout0), 0, MAX_SEQ_DIST)
    d0 = node_position[node_in0] - node_position[node_out0]

    def scat(x):
        return jnp.zeros((N_EDGES,), x.dtype).at[p].set(
            x, unique_indices=True, mode='promise_in_bounds')

    nin = scat(node_in0)
    nout = scat(node_out0)
    r = scat(edge_rel)
    t_in = scat(tin0)
    t_out = scat(tout0)
    seqd = scat(seqd0)
    dx = scat(d0[:, 0])
    dy = scat(d0[:, 1])
    dz = scat(d0[:, 2])

    feat, off3 = pl.pallas_call(
        _feature_body,
        grid=(NB,),
        in_specs=[spec1, spec1, spec1, spec1, spec1, spec1, spec1, spec16, spec16],
        out_specs=[pl.BlockSpec((BLK, FDIM), lambda i: (i, 0)), spec1],
        out_shape=[
            jax.ShapeDtypeStruct((N_EDGES, FDIM), jnp.float32),
            jax.ShapeDtypeStruct((NB, 1, BLK), jnp.int32),
        ],
    )(_r3(t_in), _r3(t_out), _r3(r), _r3(seqd),
      _r3(dx), _r3(dy), _r3(dz),
      estart.reshape(1, 1, BATCH), nstart.reshape(1, 1, BATCH))

    edge_list = jnp.stack([nin, nout, r], axis=1)
    return edge_list, feat, off3.reshape(N_EDGES), num_edges

# --- scband reference (transcript-rebuilt; emitter-appended) ---
"""Pipeline reference for scband-graph-construction-33509334843926 (READ-ONLY COPY).

The authoritative reference and input builder live on the scoring server;
editing this copy changes nothing except your own understanding.
"""

import jax, jax.numpy as jnp
import numpy as np

N_NODES = 50000
N_EDGES = 800000
N_RESIDUES = 12500
BATCH_SIZE = 16
NUM_RES_TYPES = 20
NUM_RELATION = 7
MAX_SEQ_DIST = 10


def setup_inputs(seed: int = 0) -> dict:
    key = jax.random.key(seed)
    ks = jax.random.split(key, 6)
    node_position = jax.random.normal(ks[0], (N_NODES, 3), dtype=jnp.float32) * 10.0
    atom2residue = jnp.sort(jax.random.randint(ks[1], (N_NODES,), 0, N_RESIDUES, dtype=jnp.int64 if jax.config.jax_enable_x64 else jnp.int32)).astype(jnp.int32)
    residue_type = jax.random.randint(ks[2], (N_RESIDUES,), 0, NUM_RES_TYPES).astype(jnp.int32)
    node2graph = jnp.sort(jax.random.randint(ks[3], (N_NODES,), 0, BATCH_SIZE)).astype(jnp.int32)
    edge_index = jax.random.randint(ks[4], (2, N_EDGES), 0, N_NODES).astype(jnp.int32)
    edge_rel = jax.random.randint(ks[5], (N_EDGES,), 0, NUM_RELATION).astype(jnp.int32)
    return {
        'node_position': node_position,
        'atom2residue': atom2residue,
        'residue_type': residue_type,
        'node2graph': node2graph,
        'edge_index': edge_index,
        'edge_rel': edge_rel,
    }


def _one_hot(x, n):
    return jax.nn.one_hot(x, n, dtype=jnp.float32)


def reference(node_position, atom2residue, residue_type, node2graph, edge_index, edge_rel):
    # --- apply_edge_layer: sort edges by owning graph (single edge layer, so
    # the relation-offset cumsum over layers is the identity) ---
    node_in = edge_index[0]
    node_out = edge_index[1]
    edge2graph = node2graph[node_in]
    order = jnp.argsort(edge2graph)
    node_in = node_in[order]
    node_out = node_out[order]
    r = edge_rel[order]
    # per-graph edge counts and node offsets (packed-graph bookkeeping)
    num_edges = jnp.bincount(edge2graph, length=BATCH_SIZE)
    num_nodes = jnp.bincount(node2graph, length=BATCH_SIZE)
    num_cum_nodes = jnp.cumsum(num_nodes)
    starts = num_cum_nodes - num_nodes
    offsets = jnp.repeat(starts, num_edges, total_repeat_length=N_EDGES)
    # --- edge_gearnet feature ---
    residue_in = atom2residue[node_in]
    residue_out = atom2residue[node_out]
    in_residue_type = residue_type[residue_in]
    out_residue_type = residue_type[residue_out]
    sequential_dist = jnp.clip(jnp.abs(residue_in - residue_out), 0, MAX_SEQ_DIST)
    diff = node_position[node_in] - node_position[node_out]
    spatial_dist = jnp.sqrt(jnp.sum(diff * diff, axis=-1) + 1e-12)
    edge_feature = jnp.concatenate([
        _one_hot(in_residue_type, NUM_RES_TYPES),
        _one_hot(out_residue_type, NUM_RES_TYPES),
        _one_hot(r, NUM_RELATION),
        _one_hot(sequential_dist, MAX_SEQ_DIST + 1),
        spatial_dist[:, None],
    ], axis=-1)
    edge_list = jnp.stack([node_in, node_out, r], axis=1)
    return edge_list, edge_feature, offsets, num_edges

if __name__ == "__main__":
    import jax
    _d = setup_inputs()
    print(jax.jit(kernel)(*tuple(_d.values())))

</pallas_src>

<mosaic_0001>
module attributes {stable_mosaic.version = 14 : i64} {
  func.func @_rank_body(%arg0: i32, %arg1: memref<1x1x1600xi32, #tpu.memory_space<vmem>>, %arg2: memref<1x1x16xi32, #tpu.memory_space<vmem>>, %arg3: memref<1x1x1600xi32, #tpu.memory_space<vmem>>, %arg4: memref<8x16xf32, #tpu.memory_space<vmem>>) attributes {dimension_semantics = [#tpu.dimension_semantics<arbitrary>], iteration_bounds = array<i64: 500>, scalar_prefetch = 0 : i64, scratch_operands = 1 : i64, tpu.core_type = #tpu.core_type<tc>, window_params = [{transform_indices = @transform_0, window_bounds = array<i64: 1, 1, 1600>}, {pipeline_mode = #tpu.pipeline_mode<synchronous>, transform_indices = @transform_1, window_bounds = array<i64: 1, 1, 16>}, {transform_indices = @transform_2, window_bounds = array<i64: 1, 1, 1600>}]} {
    %eq3A = arith.constant 0 : i32
    %eq3A_0 = arith.cmpi eq, %arg0, %eq3A : i32
    %convert_element_type3A = arith.extui %eq3A_0 : i1 to i32
    %cond3A = arith.constant 0 : i32
    %cond3A_1 = arith.cmpi ne, %convert_element_type3A, %cond3A : i32
    scf.if %cond3A_1 {
      %broadcast_in_dim3A_44 = arith.constant 0.000000e+00 : f32
      %broadcast_in_dim3A_45 = vector.broadcast %broadcast_in_dim3A_44 : f32 to vector<8x16xf32>
      %swap3A_46 = arith.constant 0 : index
      %swap3A_47 = arith.constant 0 : index
      %swap3A_48 = vector.load %arg4[%swap3A_46, %swap3A_47] : memref<8x16xf32, #tpu.memory_space<vmem>>, vector<8x16xf32>
      tpu.vector_store %arg4[%swap3A_46, %swap3A_47], %broadcast_in_dim3A_45 {strides = array<i32>} : memref<8x16xf32, #tpu.memory_space<vmem>>, vector<8x16xf32>,
    } else {
    }
    %get3A = arith.constant 0 : index
    %get3A_2 = arith.constant 0 : index
    %get3A_3 = arith.constant 0 : index
    %get3A_4 = vector.load %arg1[%get3A, %get3A_2, %get3A_3] : memref<1x1x1600xi32, #tpu.memory_space<vmem>>, vector<1x1x1600xi32>
    %get3A_5 = vector.shape_cast %get3A_4 : vector<1x1x1600xi32> to vector<1600xi32>
    %reshape3A = vector.shape_cast %get3A_5 : vector<1600xi32> to vector<1600x1xi32>
    %iota3A = tpu.iota {dimensions = array<i32: 1>} : vector<1x16xi32>
    %eq3A_6 = vector.broadcast %reshape3A : vector<1600x1xi32> to vector<1600x16xi32>
    %eq3A_7 = vector.broadcast %iota3A : vector<1x16xi32> to vector<1600x16xi32>
    %eq3A_8 = arith.cmpi eq, %eq3A_6, %eq3A_7 : vector<1600x16xi32>
    %convert_element_type3A_9 = arith.extui %eq3A_8 : vector<1600x16xi1> to vector<1600x16xi32>
    %convert_element_type3A_10 = arith.sitofp %convert_element_type3A_9 : vector<1600x16xi32> to vector<1600x16xf32>
    %iota3A_11 = tpu.iota {dimensions = array<i32: 0>} : vector<1600x1600xi32>
    %iota3A_12 = tpu.iota {dimensions = array<i32: 1>} : vector<1600x1600xi32>
    %lt3A = arith.cmpi slt, %iota3A_12, %iota3A_11 : vector<1600x1600xi32>
    %convert_element_type3A_13 = arith.extui %lt3A : vector<1600x1600xi1> to vector<1600x1600xi32>
    %convert_element_type3A_14 = arith.sitofp %convert_element_type3A_13 : vector<1600x1600xi32> to vector<1600x1600xf32>
    %dot_general3A = arith.constant dense<0.000000e+00> : vector<1600x16xf32>
    %dot_general3A_15 = tpu.matmul %convert_element_type3A_14, %convert_element_type3A_10, %dot_general3A {dimension_numbers = #tpu.dot_dimension_numbers<[1], [0], [0], [1], [0, 0, 1, 1], [], []>, transpose_lhs_hint = false} : vector<1600x1600xf32>, vector<1600x16xf32>, vector<1600x16xf32> -> vector<1600x16xf32>
    %get3A_16 = arith.constant 0 : index
    %get3A_17 = arith.constant 0 : index
    %get3A_18 = vector.load %arg4[%get3A_16, %get3A_17] : memref<8x16xf32, #tpu.memory_space<vmem>>, vector<1x16xf32>
    %get3A_19 = arith.constant 0 : index
    %get3A_20 = arith.constant 0 : index
    %get3A_21 = arith.constant 0 : index
    %get3A_22 = vector.load %arg2[%get3A_19, %get3A_20, %get3A_21] : memref<1x1x16xi32, #tpu.memory_space<vmem>>, vector<1x1x16xi32>
    %get3A_23 = vector.shape_cast %get3A_22 : vector<1x1x16xi32> to vector<16xi32>
    %reshape3A_24 = vector.shape_cast %get3A_23 : vector<16xi32> to vector<1x16xi32>
    %convert_element_type3A_25 = arith.sitofp %reshape3A_24 : vector<1x16xi32> to vector<1x16xf32>
    %add3A = arith.addf %get3A_18, %convert_element_type3A_25 : vector<1x16xf32>
    %add3A_26 = vector.broadcast %add3A : vector<1x16xf32> to vector<1600x16xf32>
    %add3A_27 = arith.addf %dot_general3A_15, %add3A_26 : vector<1600x16xf32>
    %mul3A = arith.mulf %add3A_27, %convert_element_type3A_10 : vector<1600x16xf32>
    %reduce_sum3A = arith.constant dense<0.000000e+00> : vector<1600xf32>
    %reduce_sum3A_28 = vector.multi_reduction <add>, %mul3A, %reduce_sum3A [1] : vector<1600x16xf32> to vector<1600xf32>
    %convert_element_type3A_29 = arith.fptosi %reduce_sum3A_28 : vector<1600xf32> to vector<1600xi32>
    %swap3A = arith.constant 0 : index
    %swap3A_30 = arith.constant 0 : index
    %swap3A_31 = arith.constant 0 : index
    %swap3A_32 = vector.load %arg3[%swap3A, %swap3A_30, %swap3A_31] : memref<1x1x1600xi32, #tpu.memory_space<vmem>>, vector<1x1x1600xi32>
    %swap3A_33 = vector.shape_cast %swap3A_32 : vector<1x1x1600xi32> to vector<1600xi32>
    %swap3A_34 = vector.shape_cast %convert_element_type3A_29 : vector<1600xi32> to vector<1x1x1600xi32>
    tpu.vector_store %arg3[%swap3A, %swap3A_30, %swap3A_31], %swap3A_34 {strides = array<i32>} : memref<1x1x1600xi32, #tpu.memory_space<vmem>>, vector<1x1x1600xi32>,
    %get3A_35 = arith.constant 0 : index
    %get3A_36 = arith.constant 0 : index
    %get3A_37 = vector.load %arg4[%get3A_35, %get3A_36] : memref<8x16xf32, #tpu.memory_space<vmem>>, vector<1x16xf32>
    %reduce_sum3A_38 = arith.constant dense<0.000000e+00> : vector<16xf32>
    %reduce_sum3A_39 = vector.multi_reduction <add>, %convert_element_type3A_10, %reduce_sum3A_38 [0] : vector<1600x16xf32> to vector<16xf32>
    %broadcast_in_dim3A = vector.shape_cast %reduce_sum3A_39 : vector<16xf32> to vector<1x16xf32>
    %add3A_40 = arith.addf %get3A_37, %broadcast_in_dim3A : vector<1x16xf32>
    %swap3A_41 = arith.constant 0 : index
    %swap3A_42 = arith.constant 0 : index
    %swap3A_43 = vector.load %arg4[%swap3A_41, %swap3A_42] : memref<8x16xf32, #tpu.memory_space<vmem>>, vector<1x16xf32>
    tpu.vector_store %arg4[%swap3A_41, %swap3A_42], %add3A_40 {strides = array<i32>} : memref<8x16xf32, #tpu.memory_space<vmem>>, vector<1x16xf32>,
    return
  }
  func.func @transform_0(%arg0: i32) -> (i32, i32, i32) {
    %c0_i32 = arith.constant 0 : i32
    %c0_i32_0 = arith.constant 0 : i32
    %c0_i32_1 = arith.constant 0 : i32
    return %arg0, %c0_i32, %c0_i32_0 : i32, i32, i32
  }
  func.func @transform_1(%arg0: i32) -> (i32, i32, i32) {
    %c0_i32 = arith.constant 0 : i32
    %c0_i32_0 = arith.constant 0 : i32
    %c0_i32_1 = arith.constant 0 : i32
    %c0_i32_2 = arith.constant 0 : i32
    return %c0_i32, %c0_i32_0, %c0_i32_1 : i32, i32, i32
  }
  func.func @transform_2(%arg0: i32) -> (i32, i32, i32) {
    %c0_i32 = arith.constant 0 : i32
    %c0_i32_0 = arith.constant 0 : i32
    %c0_i32_1 = arith.constant 0 : i32
    return %arg0, %c0_i32, %c0_i32_0 : i32, i32, i32
  }
}

module attributes {stable_mosaic.version = 14 : i64} {
  func.func @_feature_body(%arg0: i32, %arg1: memref<1x1x1600xi32, #tpu.memory_space<vmem>>, %arg2: memref<1x1x1600xi32, #tpu.memory_space<vmem>>, %arg3: memref<1x1x1600xi32, #tpu.memory_space<vmem>>, %arg4: memref<1x1x1600xi32, #tpu.memory_space<vmem>>, %arg5: memref<1x1x1600xf32, #tpu.memory_space<vmem>>, %arg6: memref<1x1x1600xf32, #tpu.memory_space<vmem>>, %arg7: memref<1x1x1600xf32, #tpu.memory_space<vmem>>, %arg8: memref<1x1x16xi32, #tpu.memory_space<vmem>>, %arg9: memref<1x1x16xi32, #tpu.memory_space<vmem>>, %arg10: memref<1600x59xf32, #tpu.memory_space<vmem>>, %arg11: memref<1x1x1600xi32, #tpu.memory_space<vmem>>) attributes {dimension_semantics = [#tpu.dimension_semantics<arbitrary>], iteration_bounds = array<i64: 500>, scalar_prefetch = 0 : i64, scratch_operands = 0 : i64, tpu.core_type = #tpu.core_type<tc>, window_params = [{transform_indices = @transform_0, window_bounds = array<i64: 1, 1, 1600>}, {transform_indices = @transform_1, window_bounds = array<i64: 1, 1, 1600>}, {transform_indices = @transform_2, window_bounds = array<i64: 1, 1, 1600>}, {transform_indices = @transform_3, window_bounds = array<i64: 1, 1, 1600>}, {transform_indices = @transform_4, window_bounds = array<i64: 1, 1, 1600>}, {transform_indices = @transform_5, window_bounds = array<i64: 1, 1, 1600>}, {transform_indices = @transform_6, window_bounds = array<i64: 1, 1, 1600>}, {pipeline_mode = #tpu.pipeline_mode<synchronous>, transform_indices = @transform_7, window_bounds = array<i64: 1, 1, 16>}, {pipeline_mode = #tpu.pipeline_mode<synchronous>, transform_indices = @transform_8, window_bounds = array<i64: 1, 1, 16>}, {transform_indices = @transform_9, window_bounds = array<i64: 1600, 59>}, {transform_indices = @transform_10, window_bounds = array<i64: 1, 1, 1600>}]} {
    %get3A = arith.constant 0 : index
    %get3A_0 = arith.constant 0 : index
    %get3A_1 = arith.constant 0 : index
    %get3A_2 = vector.load %arg1[%get3A, %get3A_0, %get3A_1] : memref<1x1x1600xi32, #tpu.memory_space<vmem>>, vector<1x1x1600xi32>
    %get3A_3 = vector.shape_cast %get3A_2 : vector<1x1x1600xi32> to vector<1600xi32>
    %reshape3A = vector.shape_cast %get3A_3 : vector<1600xi32> to vector<1600x1xi32>
    %get3A_4 = arith.constant 0 : index
    %get3A_5 = arith.constant 0 : index
    %get3A_6 = arith.constant 0 : index
    %get3A_7 = vector.load %arg2[%get3A_4, %get3A_5, %get3A_6] : memref<1x1x1600xi32, #tpu.memory_space<vmem>>, vector<1x1x1600xi32>
    %get3A_8 = vector.shape_cast %get3A_7 : vector<1x1x1600xi32> to vector<1600xi32>
    %reshape3A_9 = vector.shape_cast %get3A_8 : vector<1600xi32> to vector<1600x1xi32>
    %get3A_10 = arith.constant 0 : index
    %get3A_11 = arith.constant 0 : index
    %get3A_12 = arith.constant 0 : index
    %get3A_13 = vector.load %arg3[%get3A_10, %get3A_11, %get3A_12] : memref<1x1x1600xi32, #tpu.memory_space<vmem>>, vector<1x1x1600xi32>
    %get3A_14 = vector.shape_cast %get3A_13 : vector<1x1x1600xi32> to vector<1600xi32>
    %reshape3A_15 = vector.shape_cast %get3A_14 : vector<1600xi32> to vector<1600x1xi32>
    %get3A_16 = arith.constant 0 : index
    %get3A_17 = arith.constant 0 : index
    %get3A_18 = arith.constant 0 : index
    %get3A_19 = vector.load %arg4[%get3A_16, %get3A_17, %get3A_18] : memref<1x1x1600xi32, #tpu.memory_space<vmem>>, vector<1x1x1600xi32>
    %get3A_20 = vector.shape_cast %get3A_19 : vector<1x1x1600xi32> to vector<1600xi32>
    %reshape3A_21 = vector.shape_cast %get3A_20 : vector<1600xi32> to vector<1600x1xi32>
    %get3A_22 = arith.constant 0 : index
    %get3A_23 = arith.constant 0 : index
    %get3A_24 = arith.constant 0 : index
    %get3A_25 = vector.load %arg5[%get3A_22, %get3A_23, %get3A_24] : memref<1x1x1600xf32, #tpu.memory_space<vmem>>, vector<1x1x1600xf32>
    %get3A_26 = vector.shape_cast %get3A_25 : vector<1x1x1600xf32> to vector<1600xf32>
    %reshape3A_27 = vector.shape_cast %get3A_26 : vector<1600xf32> to vector<1600x1xf32>
    %get3A_28 = arith.constant 0 : index
    %get3A_29 = arith.constant 0 : index
    %get3A_30 = arith.constant 0 : index
    %get3A_31 = vector.load %arg6[%get3A_28, %get3A_29, %get3A_30] : memref<1x1x1600xf32, #tpu.memory_space<vmem>>, vector<1x1x1600xf32>
    %get3A_32 = vector.shape_cast %get3A_31 : vector<1x1x1600xf32> to vector<1600xf32>
    %reshape3A_33 = vector.shape_cast %get3A_32 : vector<1600xf32> to vector<1600x1xf32>
    %get3A_34 = arith.constant 0 : index
    %get3A_35 = arith.constant 0 : index
    %get3A_36 = arith.constant 0 : index
    %get3A_37 = vector.load %arg7[%get3A_34, %get3A_35, %get3A_36] : memref<1x1x1600xf32, #tpu.memory_space<vmem>>, vector<1x1x1600xf32>
    %get3A_38 = vector.shape_cast %get3A_37 : vector<1x1x1600xf32> to vector<1600xf32>
    %reshape3A_39 = vector.shape_cast %get3A_38 : vector<1600xf32> to vector<1600x1xf32>
    %iota3A = tpu.iota {dimensions = array<i32: 1>} : vector<1x59xi32>
    %eq3A = vector.broadcast %iota3A : vector<1x59xi32> to vector<1600x59xi32>
    %eq3A_40 = vector.broadcast %reshape3A : vector<1600x1xi32> to vector<1600x59xi32>
    %eq3A_41 = arith.cmpi eq, %eq3A, %eq3A_40 : vector<1600x59xi32>
    %add3A = arith.constant 20 : i32
    %add3A_42 = vector.broadcast %add3A : i32 to vector<1600x1xi32>
    %add3A_43 = arith.addi %reshape3A_9, %add3A_42 : vector<1600x1xi32>
    %eq3A_44 = vector.broadcast %iota3A : vector<1x59xi32> to vector<1600x59xi32>
    %eq3A_45 = vector.broadcast %add3A_43 : vector<1600x1xi32> to vector<1600x59xi32>
    %eq3A_46 = arith.cmpi eq, %eq3A_44, %eq3A_45 : vector<1600x59xi32>
    %or3A = arith.ori %eq3A_41, %eq3A_46 : vector<1600x59xi1>
    %add3A_47 = arith.constant 40 : i32
    %add3A_48 = vector.broadcast %add3A_47 : i32 to vector<1600x1xi32>
    %add3A_49 = arith.addi %reshape3A_15, %add3A_48 : vector<1600x1xi32>
    %eq3A_50 = vector.broadcast %iota3A : vector<1x59xi32> to vector<1600x59xi32>
    %eq3A_51 = vector.broadcast %add3A_49 : vector<1600x1xi32> to vector<1600x59xi32>
    %eq3A_52 = arith.cmpi eq, %eq3A_50, %eq3A_51 : vector<1600x59xi32>
    %or3A_53 = arith.ori %or3A, %eq3A_52 : vector<1600x59xi1>
    %add3A_54 = arith.constant 40 : i32
    %add3A_55 = vector.broadcast %add3A_54 : i32 to vector<1600x1xi32>
    %add3A_56 = arith.addi %reshape3A_21, %add3A_55 : vector<1600x1xi32>
    %add3A_57 = arith.constant 7 : i32
    %add3A_58 = vector.broadcast %add3A_57 : i32 to vector<1600x1xi32>
    %add3A_59 = arith.addi %add3A_56, %add3A_58 : vector<1600x1xi32>
    %eq3A_60 = vector.broadcast %iota3A : vector<1x59xi32> to vector<1600x59xi32>
    %eq3A_61 = vector.broadcast %add3A_59 : vector<1600x1xi32> to vector<1600x59xi32>
    %eq3A_62 = arith.cmpi eq, %eq3A_60, %eq3A_61 : vector<1600x59xi32>
    %or3A_63 = arith.ori %or3A_53, %eq3A_62 : vector<1600x59xi1>
    %mul3A = arith.mulf %reshape3A_27, %reshape3A_27 : vector<1600x1xf32>
    %mul3A_64 = arith.mulf %reshape3A_33, %reshape3A_33 : vector<1600x1xf32>
    %add3A_65 = arith.addf %mul3A, %mul3A_64 : vector<1600x1xf32>
    %mul3A_66 = arith.mulf %reshape3A_39, %reshape3A_39 : vector<1600x1xf32>
    %add3A_67 = arith.addf %add3A_65, %mul3A_66 : vector<1600x1xf32>
    %add3A_68 = arith.constant 9.99999996E-13 : f32
    %add3A_69 = vector.broadcast %add3A_68 : f32 to vector<1600x1xf32>
    %add3A_70 = arith.addf %add3A_67, %add3A_69 : vector<1600x1xf32>
    %sqrt3A = math.sqrt %add3A_70 : vector<1600x1xf32>
    %eq3A_71 = arith.constant 58 : i32
    %eq3A_72 = vector.broadcast %eq3A_71 : i32 to vector<1x59xi32>
    %eq3A_73 = arith.cmpi eq, %iota3A, %eq3A_72 : vector<1x59xi32>
    %convert_element_type3A = arith.extui %or3A_63 : vector<1600x59xi1> to vector<1600x59xi32>
    %convert_element_type3A_74 = arith.sitofp %convert_element_type3A : vector<1600x59xi32> to vector<1600x59xf32>
    %broadcast_in_dim3A = vector.shape_cast %eq3A_73 : vector<1x59xi1> to vector<1x59xi1>
    %broadcast_in_dim3A_75 = vector.broadcast %broadcast_in_dim3A : vector<1x59xi1> to vector<1600x59xi1>
    %broadcast_in_dim3A_76 = vector.shape_cast %sqrt3A : vector<1600x1xf32> to vector<1600x1xf32>
    %broadcast_in_dim3A_77 = vector.broadcast %broadcast_in_dim3A_76 : vector<1600x1xf32> to vector<1600x59xf32>
    %select_n3A = arith.select %broadcast_in_dim3A_75, %broadcast_in_dim3A_77, %convert_element_type3A_74 : vector<1600x59xi1>, vector<1600x59xf32>
    %swap3A = arith.constant 0 : index
    %swap3A_78 = arith.constant 0 : index
    %swap3A_79 = vector.load %arg10[%swap3A, %swap3A_78] : memref<1600x59xf32, #tpu.memory_space<vmem>>, vector<1600x59xf32>
    tpu.vector_store %arg10[%swap3A, %swap3A_78], %select_n3A {strides = array<i32>} : memref<1600x59xf32, #tpu.memory_space<vmem>>, vector<1600x59xf32>,
    %mul3A_80 = arith.constant 1600 : i32
    %mul3A_81 = arith.muli %arg0, %mul3A_80 : i32
    %iota3A_82 = tpu.iota {dimensions = array<i32: 0>} : vector<1600x1xi32>
    %add3A_83 = vector.broadcast %mul3A_81 : i32 to vector<1600x1xi32>
    %add3A_84 = arith.addi %add3A_83, %iota3A_82 : vector<1600x1xi32>
    %get3A_85 = arith.constant 0 : index
    %get3A_86 = arith.constant 0 : index
    %get3A_87 = arith.constant 0 : index
    %get3A_88 = vector.load %arg8[%get3A_85, %get3A_86, %get3A_87] : memref<1x1x16xi32, #tpu.memory_space<vmem>>, vector<1x1x16xi32>
    %get3A_89 = vector.shape_cast %get3A_88 : vector<1x1x16xi32> to vector<16xi32>
    %reshape3A_90 = vector.shape_cast %get3A_89 : vector<16xi32> to vector<1x16xi32>
    %get3A_91 = arith.constant 0 : index
    %get3A_92 = arith.constant 0 : index
    %get3A_93 = arith.constant 0 : index
    %get3A_94 = vector.load %arg9[%get3A_91, %get3A_92, %get3A_93] : memref<1x1x16xi32, #tpu.memory_space<vmem>>, vector<1x1x16xi32>
    %get3A_95 = vector.shape_cast %get3A_94 : vector<1x1x16xi32> to vector<16xi32>
    %reshape3A_96 = vector.shape_cast %get3A_95 : vector<16xi32> to vector<1x16xi32>
    %ge3A = vector.broadcast %add3A_84 : vector<1600x1xi32> to vector<1600x16xi32>
    %ge3A_97 = vector.broadcast %reshape3A_90 : vector<1x16xi32> to vector<1600x16xi32>
    %ge3A_98 = arith.cmpi sge, %ge3A, %ge3A_97 : vector<1600x16xi32>
    %convert_element_type3A_99 = arith.extui %ge3A_98 : vector<1600x16xi1> to vector<1600x16xi32>
    %reduce_sum3A = arith.constant dense<0> : vector<1600xi32>
    %reduce_sum3A_100 = vector.multi_reduction <add>, %convert_element_type3A_99, %reduce_sum3A [1] : vector<1600x16xi32> to vector<1600xi32>
    %broadcast_in_dim3A_101 = vector.shape_cast %reduce_sum3A_100 : vector<1600xi32> to vector<1600x1xi32>
    %sub3A = arith.constant 1 : i32
    %sub3A_102 = vector.broadcast %sub3A : i32 to vector<1600x1xi32>
    %sub3A_103 = arith.subi %broadcast_in_dim3A_101, %sub3A_102 : vector<1600x1xi32>
    %iota3A_104 = tpu.iota {dimensions = array<i32: 1>} : vector<1x16xi32>
    %eq3A_105 = vector.broadcast %iota3A_104 : vector<1x16xi32> to vector<1600x16xi32>
    %eq3A_106 = vector.broadcast %sub3A_103 : vector<1600x1xi32> to vector<1600x16xi32>
    %eq3A_107 = arith.cmpi eq, %eq3A_105, %eq3A_106 : vector<1600x16xi32>
    %jit3A = arith.constant 0 : i32
    %broadcast_in_dim3A_108 = vector.shape_cast %reshape3A_96 : vector<1x16xi32> to vector<1x16xi32>
    %broadcast_in_dim3A_109 = vector.broadcast %broadcast_in_dim3A_108 : vector<1x16xi32> to vector<1600x16xi32>
    %broadcast_in_dim3A_110 = vector.broadcast %jit3A : i32 to vector<1600x16xi32>
    %select_n3A_111 = arith.select %eq3A_107, %broadcast_in_dim3A_109, %broadcast_in_dim3A_110 : vector<1600x16xi1>, vector<1600x16xi32>
    %reduce_sum3A_112 = arith.constant dense<0> : vector<1600xi32>
    %reduce_sum3A_113 = vector.multi_reduction <add>, %select_n3A_111, %reduce_sum3A_112 [1] : vector<1600x16xi32> to vector<1600xi32>
    %swap3A_114 = arith.constant 0 : index
    %swap3A_115 = arith.constant 0 : index
    %swap3A_116 = arith.constant 0 : index
    %swap3A_117 = vector.load %arg11[%swap3A_114, %swap3A_115, %swap3A_116] : memref<1x1x1600xi32, #tpu.memory_space<vmem>>, vector<1x1x1600xi32>
    %swap3A_118 = vector.shape_cast %swap3A_117 : vector<1x1x1600xi32> to vector<1600xi32>
    %swap3A_119 = vector.shape_cast %reduce_sum3A_113 : vector<1600xi32> to vector<1x1x1600xi32>
    tpu.vector_store %arg11[%swap3A_114, %swap3A_115, %swap3A_116], %swap3A_119 {strides = array<i32>} : memref<1x1x1600xi32, #tpu.memory_space<vmem>>, vector<1x1x1600xi32>,
    return
  }
  func.func @transform_0(%arg0: i32) -> (i32, i32, i32) {
    %c0_i32 = arith.constant 0 : i32
    %c0_i32_0 = arith.constant 0 : i32
    %c0_i32_1 = arith.constant 0 : i32
    return %arg0, %c0_i32, %c0_i32_0 : i32, i32, i32
  }
  func.func @transform_1(%arg0: i32) -> (i32, i32, i32) {
    %c0_i32 = arith.constant 0 : i32
    %c0_i32_0 = arith.constant 0 : i32
    %c0_i32_1 = arith.constant 0 : i32
    return %arg0, %c0_i32, %c0_i32_0 : i32, i32, i32
  }
  func.func @transform_2(%arg0: i32) -> (i32, i32, i32) {
    %c0_i32 = arith.constant 0 : i32
    %c0_i32_0 = arith.constant 0 : i32
    %c0_i32_1 = arith.constant 0 : i32
    return %arg0, %c0_i32, %c0_i32_0 : i32, i32, i32
  }
  func.func @transform_3(%arg0: i32) -> (i32, i32, i32) {
    %c0_i32 = arith.constant 0 : i32
    %c0_i32_0 = arith.constant 0 : i32
    %c0_i32_1 = arith.constant 0 : i32
    return %arg0, %c0_i32, %c0_i32_0 : i32, i32, i32
  }
  func.func @transform_4(%arg0: i32) -> (i32, i32, i32) {
    %c0_i32 = arith.constant 0 : i32
    %c0_i32_0 = arith.constant 0 : i32
    %c0_i32_1 = arith.constant 0 : i32
    return %arg0, %c0_i32, %c0_i32_0 : i32, i32, i32
  }
  func.func @transform_5(%arg0: i32) -> (i32, i32, i32) {
    %c0_i32 = arith.constant 0 : i32
    %c0_i32_0 = arith.constant 0 : i32
    %c0_i32_1 = arith.constant 0 : i32
    return %arg0, %c0_i32, %c0_i32_0 : i32, i32, i32
  }
  func.func @transform_6(%arg0: i32) -> (i32, i32, i32) {
    %c0_i32 = arith.constant 0 : i32
    %c0_i32_0 = arith.constant 0 : i32
    %c0_i32_1 = arith.constant 0 : i32
    return %arg0, %c0_i32, %c0_i32_0 : i32, i32, i32
  }
  func.func @transform_7(%arg0: i32) -> (i32, i32, i32) {
    %c0_i32 = arith.constant 0 : i32
    %c0_i32_0 = arith.constant 0 : i32
    %c0_i32_1 = arith.constant 0 : i32
    %c0_i32_2 = arith.constant 0 : i32
    return %c0_i32, %c0_i32_0, %c0_i32_1 : i32, i32, i32
  }
  func.func @transform_8(%arg0: i32) -> (i32, i32, i32) {
    %c0_i32 = arith.constant 0 : i32
    %c0_i32_0 = arith.constant 0 : i32
    %c0_i32_1 = arith.constant 0 : i32
    %c0_i32_2 = arith.constant 0 : i32
    return %c0_i32, %c0_i32_0, %c0_i32_1 : i32, i32, i32
  }
  func.func @transform_9(%arg0: i32) -> (i32, i32) {
    %c0_i32 = arith.constant 0 : i32
    %c0_i32_0 = arith.constant 0 : i32
    return %arg0, %c0_i32 : i32, i32
  }
  func.func @transform_10(%arg0: i32) -> (i32, i32, i32) {
    %c0_i32 = arith.constant 0 : i32
    %c0_i32_0 = arith.constant 0 : i32
    %c0_i32_1 = arith.constant 0 : i32
    return %arg0, %c0_i32, %c0_i32_0 : i32, i32, i32
  }
}

</mosaic_0001>

<sc_bundles>
// kernel: scatter_offload_async_start.1
scs
__scs_entry_jumppad:
0x0: {  	(pc) =	sbr.rel $0x88, $3  }
0x1: {  	(tag) =	ssettag $0x0;
	lr =	simm.s32 $0x1  }
0x2: {  	[smem:$0x3F9B] =	sst lr;
	_ =	strace $0xD0000000  }
0x3: {  	_ = 	snop  }
0x4: {  	_ = 	snop  }
0x5: {  	_ = 	snop  }
0x6: {  	_ = 	snop  }
0x7: {  	_ = 	snop  }
__scs_overlays_trampoline_lowered:
0x8: {  	[smem:$0x3FAA] =	sst s0  }
0x9: {  	[smem:$0x3FAB] =	sst s1  }
0xa: {  	[smem:$0x3FAC] =	sst s2  }
0xb: {  	[smem:$0x3FAD] =	sst s3  }
0xc: {  	[smem:$0x3FAE] =	sst s4  }
0xd: {  	[smem:$0x3FAF] =	sst s5  }
0xe: {  	[smem:$0x3FB0] =	sst s6  }
0xf: {  	[smem:$0x3FB1] =	sst s7  }
0x10: {  	[smem:$0x3FB2] =	sst s8  }
0x11: {  	[smem:$0x3FB3] =	sst s9;
	s0 =	simm.s32 @!p0 $0x0  }
0x12: {  	s1 =	sld [smem:$0x3F99];
	s0 =	simm.s32 @p0 $0x1  }
0x13: {  	[smem:$0x3FB4] =	sst s0;
	s0 =	simm.s32 @!p1 $0x0  }
0x14: {  	s2 =	sld [smem:$0x3F98];
	s0 =	simm.s32 @p1 $0x1  }
0x15: {  	[smem:$0x3FB5] =	sst s0;
	s0 =	simm.s32 @!p2 $0x0  }
0x16: {  	s3 =	sld [smem:$0x3FDB];
	s0 =	simm.s32 @p2 $0x1  }
0x17: {  	s4 =	simm.s32 $0x1BF5;
	[smem:$0x3FB7] =	sst s0  }
0x18: {  	s0 =	sld [smem:$0x3F9A];
	_ =	swait.ge [sflag:s4], $0x0  }
0x19: {  	s7 =	sld [smem:$0x3F9B]  }
0x1a: {  	s8 =	sadd.s32 $0xFFFFE003, lr  }
0x1b: {  	s9 =	sadd.s32 $0xFFFFFEF7, lr;
	s5 =	simm.s32 $0xFFFFFFFF;
	p2 =	slt.u32 s8, $0xFFFFF086  }
0x1c: {  	p1 =	slt.u32 s9, $0xF7A;
	s5 =	simm.s32 @!p2 $0x0  }
0x1d: {  	s5 =	simm.s32 @p1 $0x1;
	p0 =	seq.s32 s7, s2  }
0x1e: {  	s7 =	smul.u32 @!p0 $0xF7A, s2;
	p2 =	seq.s32 @!p0 s5, $0x0  }
0x1f: {  	s9 =	smul.u32 $0xF7A, s1;
	s8 =	simm.s32 @!p0 $0x1BF5;
	p2 =	por !p2, p0  }
0x20: {  	[sflag:s8] =	ssyncset.s32 @!p0 $0xFFFFF086;
	s6 =	sadd.s32 @!p0 s3, s7;
	s7 =	simm.s32 @!p0 $0x108  }
0x21: {  	s3 =	sadd.s32 s3, s9;
	s6 =	sadd.s32 @!p0 $0x88, s6;
	s7 =	simm.s32 @p2 $0x1082  }
0x22: {  	[simem:s7], [sflag:s8] =	dma.local @!p0 [hbm:s6], $0xF7A  }
0x23: {  	s9 =	sor.u32 $0xD0000000, s2;
	s6 =	simm.s32 $0x108;
	_ =	swait.ge @!p0 [sflag:s8], $0x0  }
0x24: {  	s3 =	sadd.s32 $0x88, s3;
	s6 =	simm.s32 @!p1 $0x1082;
	[sflag:s4] =	ssyncset.s32 $0xFFFFF086  }
0x25: {  	[simem:s6], [sflag:s4] =	dma.local [hbm:s3], $0xF7A  }
0x26: {  	[smem:$0x3F9B] =	sst s1;
	(tag) =	ssettag s2;
	_ =	strace s9  }
0x27: {  	s1 =	sld [smem:$0x3FAB]  }
0x28: {  	s2 =	sld [smem:$0x3FAC]  }
0x29: {  	s4 =	sld [smem:$0x3FAE]  }
0x2a: {  	p0 =	seq.s32 s5, $0x0;
	s5 =	sld [smem:$0x3FAF]  }
0x2b: {  	s6 =	sld [smem:$0x3FB0]  }
0x2c: {  	s7 =	sld [smem:$0x3FB1]  }
0x2d: {  	s3 =	simm.s32 $0x108;
	s8 =	sld [smem:$0x3FB2]  }
0x2e: {  	s3 =	simm.s32 @!p0 $0x1082;
	s9 =	sld [smem:$0x3FB3]  }
0x2f: {  	lr =	sadd.s32 s0, s3;
	s0 =	sld [smem:$0x3FAA]  }
0x30: {  	s3 =	sld [smem:$0x3FAD]  }
0x31: {  	[smem:$0x3FB6] =	sst s10  }
0x32: {  	s10 =	sld [smem:$0x3FB4];
	_ =	sdelay $0x3  }
0x33: {  	p0 =	seq.s32 s10, $0x1;
	s10 =	sld [smem:$0x3FB6];
	_ =	sdelay $0x3  }
0x34: {  	[smem:$0x3FB6] =	sst s10  }
0x35: {  	s10 =	sld [smem:$0x3FB5];
	_ =	sdelay $0x3  }
0x36: {  	p1 =	seq.s32 s10, $0x1;
	s10 =	sld [smem:$0x3FB6];
	_ =	sdelay $0x3  }
0x37: {  	[smem:$0x3FB6] =	sst s10  }
0x38: {  	s10 =	sld [smem:$0x3FB7]  }
0x39: {  	_ = 	snop;
	(pc) =	sbr.ind lr, $3  }
0x3a: {  	_ = 	snop  }
0x3b: {  	_ = 	snop  }
0x3c: {  	p2 =	seq.s32 s10, $0x1;
	s10 =	sld [smem:$0x3FB6]  }
0x3d: {  	_ =	shalt  }
0x3e: {  	_ =	shalt  }
0x3f: {  	_ =	shalt  }
0x40: {  	_ =	shalt  }
0x41: {  	_ =	shalt  }
0x42: {  	_ =	shalt  }
0x43: {  	_ =	shalt  }
0x44: {  	_ =	shalt  }
0x45: {  	_ =	shalt  }
0x46: {  	_ =	shalt  }
0x47: {  	_ =	shalt  }
0x48: {  	_ =	shalt  }
0x49: {  	_ =	shalt  }
0x4a: {  	_ =	shalt  }
0x4b: {  	_ =	shalt  }
0x4c: {  	_ =	shalt  }
0x4d: {  	_ =	shalt  }
0x4e: {  	_ =	shalt  }
0x4f: {  	_ =	shalt  }
0x50: {  	_ =	shalt  }
0x51: {  	_ =	shalt  }
0x52: {  	_ =	shalt  }
0x53: {  	_ =	shalt  }
0x54: {  	_ =	shalt  }
0x55: {  	_ =	shalt  }
0x56: {  	_ =	shalt  }
0x57: {  	_ =	shalt  }
0x58: {  	_ =	shalt  }
0x59: {  	_ =	shalt  }
0x5a: {  	_ =	shalt  }
0x5b: {  	_ =	shalt  }
0x5c: {  	_ =	shalt  }
0x5d: {  	_ =	shalt  }
0x5e: {  	_ =	shalt  }
0x5f: {  	_ =	shalt  }
0x60: {  	_ =	shalt  }
0x61: {  	_ =	shalt  }
0x62: {  	_ =	shalt  }
0x63: {  	_ =	shalt  }
0x64: {  	_ =	shalt  }
0x65: {  	_ =	shalt  }
0x66: {  	_ =	shalt  }
0x67: {  	_ =	shalt  }
0x68: {  	_ =	shalt  }
0x69: {  	_ =	shalt  }
0x6a: {  	_ =	shalt  }
0x6b: {  	_ =	shalt  }
0x6c: {  	_ =	shalt  }
0x6d: {  	_ =	shalt  }
0x6e: {  	_ =	shalt  }
0x6f: {  	_ =	shalt  }
0x70: {  	_ =	shalt  }
0x71: {  	_ =	shalt  }
0x72: {  	_ =	shalt  }
0x73: {  	_ =	shalt  }
0x74: {  	_ =	shalt  }
0x75: {  	_ =	shalt  }
0x76: {  	_ =	shalt  }
0x77: {  	_ =	shalt  }
0x78: {  	_ =	shalt  }
0x79: {  	_ =	shalt  }
0x7a: {  	_ =	shalt  }
0x7b: {  	_ =	shalt  }
0x7c: {  	_ =	shalt  }
0x7d: {  	_ =	shalt  }
0x7e: {  	_ =	shalt  }
0x7f: {  	_ =	shalt  }
0x80: {  	_ =	shalt  }
0x81: {  	_ =	shalt  }
0x82: {  	_ =	shalt  }
0x83: {  	_ =	shalt  }
0x84: {  	_ =	shalt  }
0x85: {  	_ =	shalt  }
0x86: {  	_ =	shalt  }
0x87: {  	_ =	shalt  }
.Lfunc_end0:
.L_simem_size_0:
called_computation.1_lowered:
.L_overlay_start_0:
0x88: {  	s0 =	sld [smem:$0x3FD9]  }
0x89: {  	s1 =	sld [smem:$0x3FFE];
	_ =	sdelay $0x3  }
0x8a: {  	s0 =	sadd.s32 s1, s0  }
0x8b: {  	[smem:$0x3FC2] =	sst s0  }
0x8c: {  	_ = 	snop  }
0x8d: {  	(tm) =	ssettm $0x1  }
0x8e: {  	s15 =	sld [smem:$0x3FFB];
	_ =	sdelay $0x3  }
0x8f: {  	_ =	strace s15  }
0x90: {  	s0 =	sld [smem:$0x3FFC];
	_ =	sdelay $0x3  }
0x91: {  	_ =	strace s0  }
0x92: {  	s0 =	sld [smem:$0x3FFD];
	_ =	sdelay $0x3  }
0x93: {  	_ =	strace s0  }
0x94: {  	_ =	strace $0x8FFFFFFF  }
0x95: {  	s16 =	sld [smem:$0x3FDB];
	_ =	sdelay $0x1  }
0x96: {  	s17 =	simm.s32 $_scs_section_size  }
0x97: {  	s2 =	simm.s32 $_size__tile_overlayer_lowered;
	s3 =	simm.s32 $_tile_overlayer_lowered  }
0x98: {  	s20 =	simm.s32 $0x1BFF;
	s19 =	sshll.u32 s3, $0x1;
	s0 =	sadd.s32 s17, s16  }
0x99: {  	s4 =	simm.s32 $0x0;
	s18 =	sshll.u32 s2, $0x1;
	s2 =	sadd.s32 s19, s0  }
0x9a: {  	[timem:s4], [sflag:s20] =	dma.local [hbm:s2], s18  }
0x9b: {  	_ =	swait.ge [sflag:s20], s18  }
0x9c: {  	s1 =	ssub.s32 $0x0, s18;
	[sflag:s20] =	ssyncset.done $0x0  }
0x9d: {  	[sflag:s20] =	ssyncadd.s32 s1;
	_ =	sdelay $0x1  }
0x9e: {  	s21 =	simm.s32 $0x1B8B  }
0x9f: {  	_ =	swait.ge [sflag:s21], $0x1  }
0xa0: {  	[sflag:s21] =	ssyncset.done $0x0  }
0xa1: {  	s23 =	simm.s32 $0x1B8E;
	s22 =	sld [smem:$0x3FFE];
	[sflag:s21] =	ssyncadd.s32 $0xFFFFFFFF  }
0xa2: {  	s24 =	simm.s32 $execute0_lowered;
	[smem:$0x3FD2] =	sst s23  }
0xa3: {  	s2 =	sshll.u32 s24, $0x1;
	_ =	strace $0x8000004C;
	[dreg:$0x1] =	wrdreg $0xFFFFFFFF  }
0xa4: {  	s25 =	simm.s32 $_size_execute0_lowered;
	s0 =	sadd.s32 s0, s2;
	[dreg:$0x0] =	wrdreg $0x0  }
0xa5: {  	s2 =	sshll.u32 s25, $0x1;
	[dreg:$0x2] =	wrdreg s0  }
0xa6: {  	[dreg:$0x3] =	wrdreg s2  }
0xa7: {  	[dreg:$0x4] =	wrdreg $0xC0  }
0xa8: {  	_ =	task [dreg:s4], $0x5FFFF  }
0xa9: {  	[dreg:$0x1] =	wrdreg $0xFFFFFFFF  }
0xaa: {  	[dreg:$0x0] =	wrdreg $0x60  }
0xab: {  	[dreg:$0x2] =	wrdreg s22  }
0xac: {  	[dreg:$0x3] =	wrdreg $0x9  }
0xad: {  	_ =	task.clear_ibuf [dreg:s4], $0x4FFFF;
	_ =	strace $0x9000004C  }
0xae: {  	s26 =	simm.s32 $0x9;
	_ =	strace $0x8000004E  }
0xaf: {  	_ =	swait.ge [sflag:s26], $0x1  }
0xb0: {  	[sflag:s26] =	ssyncadd.s32 $0xFFFFFFFF  }
0xb1: {  	_ =	strace $0x9000004E  }
0xb2: {  	_ =	sfence  }
0xb3: {  	s28 =	sld [smem:$0x0];
	_ =	sdelay $0x1  }
0xb4: {  	s29 =	srdreg.scid  }
0xb5: {  	s30 =	sshll.u32 s29, $0xD;
	s31 =	sshrl.u32 s29, $0x2  }
0xb6: {  	s1 =	sand.u32 $0x1, s29;
	s2 =	sand.u32 $0x4000, s30;
	s0 =	sadd.s32 s31, s28  }
0xb7: {  	s1 =	sor.u32 s2, s1;
	s0 =	sshll.u32 s0, $0x11  }
0xb8: {  	s0 =	sor.u32 s0, s1  }
0xb9: {  	s0 =	sadd.s32 $0x8F2B, s0  }
0xba: {  	[sflag:s0] =	ssyncadd.remote.s32 $0x1  }
0xbb: {  	_ =	sfence.sel $0xFFFF  }
0xbc: {  	[dreg:$0x0] =	wrdreg $0xFFFFFFFF;
	(pc) =	sbr.abs _section_cstart, $3  }
0xbd: {  	[dreg:$0x1] =	wrdreg $0xFFFFFFFF  }
0xbe: {  	_ =	task.clear_ibuf [dreg:s4], $0x2FFFF;
	_ =	strace $0x9FFFFFFF  }
0xbf: {  	(tm) =	ssettm $0x7FFFFFFF  }
tec
execute0_lowered:
.L_overlay_start_1:
0x0: {  	(tag) =	ssettag $0x1  }
0x1: {  	s7 =	rddreg [dreg:$0x0]  }
0x2: {  	s0 =	rddreg [dreg:$0x1]  }
0x3: {  	_ =	strace $0x8000004D;
	s3 =	stileid.u32;
	s4 =	simm.s32 $0x3E  }
0x4: {  	s1 =	sadd.s32 $0xCC8000, s7;
	p0 =	sne.s32 s3, $0x0;
	[sflag:s4] =	ssyncpa.u1 $0x0  }
0x5: {  	s30 =	smin.u32 s3, $0x9;
	s2 =	simm.s32 @!p0 $0x1C3E;
	s5 =	simm.s32 @!p0 $0x0  }
0x6: {  	[spmem:s5], [sflag:s2] =	dma.local @!p0 [hbm:s1], $0x10  }
0x7: {  	s2 =	sadd.s32 s3, s30  }
0x8: {  	p1 =	slt.u32 s3, $0x9;
	s3 =	simm.s32 $0xFA0;
	s2 =	smul.u32 $0x7D0, s2  }
0x9: {  	s3 =	simm.s32 @!p1 $0x7D0  }
0xa: {  	s3 =	sadd.s32 s3, s2  }
0xb: {  	s3 =	smin.u32 s3, $0xC350  }
0xc: {  	s8 =	ssub.s32 s3, s2  }
0xd: {  	p1 =	sgt.s32 s8, $0x0  }
0xe: {  	s8 =	simm.s32 @!p1 $0x0  }
0xf: {  	s6 =	sand.u32 $0xFFF0, s8  }
0x10: {  	s5 =	simm.s32 @!p0 $0x3E;
	s6 =	sshrl.u32 s6, $0x4  }
0x11: {  	_ =	swait.ge @!p0 [sflag:s5], $0x10;
	s31 =	smul.u32 $0x1063, s6  }
0x12: {  	[sflag:s5] =	ssyncset.done @!p0 $0x0  }
0x13: {  	[sflag:s5] =	ssyncadd.s32 @!p0 $0xFFFFFFF0;
	s9 =	sshrl.u32 s31, $0x13  }
0x14: {  	s11 =	simm.s32 $0x0;
	[bflag:$0x0] =	sbarrier.arrive $0xFFFF;
	s10 =	smul.u32 $0x7D0, s9  }
.Ltmp0:
0x15: {  	[sflag:s4] =	ssyncpa.u1 $0x1;
	s4 =	simm.s32 $0x1;
	(pc) =	sbr.rel .LBB2_1-.Ltmp0, $4  }
0x16: {  	s5 =	sadd.s32 $0x189B000, s7;
	s7 =	sadd.s32 $0xC97200, s7;
	[sflag:s4] =	ssyncpa.u1 $0x0  }
0x17: {  	s6 =	simm.s32 $0x2;
	p1 =	sne.s32 s8, s10;
	s8 =	simm.s32 $0x1  }
0x18: {  	(ifvalue) =	ssetifvalue $0x80;
	[sflag:s6] =	ssyncpa.u1 $0x0;
	s8 =	simm.s32 @!p1 $0x0  }
0x19: {  	vm0 =	vmmov $0xffff;
	s10 =	smov.u32 s2;
	s8 =	sadd.s32 s9, s8;
	s9 =	simm.s32 $0x0  }
.LBB2_5:
0x1a: {  	p2 =	sne.s32 s11, s8  }
.Ltmp1:
0x1b: {  	_ = 	snop;
	(pc) =	sbr.rel @!p2 .LBB2_6-.Ltmp1, $4  }
0x1c: {  	_ = 	snop  }
0x1d: {  	s12 =	sadd.s32 $0x7D0, s10  }
0x1e: {  	s10 =	smov.u32 s2;
	s13 =	sadd.s32 $0x1, s11;
	p1 =	slt.s32 s12, s3  }
0x1f: {  	s11 =	smov.u32 s13;
	s10 =	smov.u32 @p1 s12  }
.LBB2_1:
0x20: {  	p1 =	sge.u32 s11, s8  }
0x21: {  	s12 =	sxor.u32 @!p1 $0xFFFFFFFF, s11  }
0x22: {  	s12 =	sand.u32 @!p1 $0x1, s12  }
0x23: {  	s12 =	smul.u32 @!p1 $0x7D0, s12  }
0x24: {  	s13 =	sshrl.u32 @!p1 s10, $0x3  }
0x25: {  	s16 =	sand.u32 @!p1 $0x7, s10;
	s14 =	sadd.s32 @!p1 s5, s13;
	s15 =	sor.u32 @!p1 $0x8, s12  }
0x26: {  	[tilespmem:s15], [sflag:$0x2] =	stream.linear.gather @!p1 [hbm4b:s14+s16], $0x7D0, $0x38;
	[tilespmem:$0x1F48] =	vst v63  }
0x27: {  	s13 =	sadd.s32 @!p1 s7, s13;
	s12 =	sadd.s32 @!p1 $0xFA8, s12  }
0x28: {  	[tilespmem:s12], [sflag:$0x2] =	stream.linear.gather @!p1 [hbm4b:s13+s16], $0x7D0, $0x38;
	[tilespmem:$0x1F48] =	vst v63  }
0x29: {  	p1 =	seq.s32 s11, $0x0  }
.Ltmp2:
0x2a: {  	_ = 	snop;
	(pc) =	sbr.rel @p1 .LBB2_5-.Ltmp2, $1  }
0x2b: {  	_ =	sdelay $0x3  }
0x2c: {  	s12 =	sand.u32 $0x1, s11  }
0x2d: {  	_ =	swait.ge [sflag:s6], $0xFA0;
	p1 =	seq.s32 s12, $0x1;
	s12 =	simm.s32 $0x7D0  }
0x2e: {  	[sflag:s6] =	ssyncset.done $0x0;
	s12 =	simm.s32 @!p1 $0x0  }
0x2f: {  	[sflag:s6] =	ssyncadd.s32 $0xFFFFF060;
	s14 =	sor.u32 $0x8, s12  }
0x30: {  	v0 =	vld.msk [tilespmem:s14+$0x0 ss:$0x1], $0xffff;
	_ =	sdelay $0x4  }
0x31: {  	v0 =	vmin.u32 v0, $0x80;
	_ =	sdelay $0x3  }
0x32: {  	s13 =	simm.s32 $0x0;
	s12 =	sadd.s32 $0xFA8, s12;
	s14 =	sadd.s32 $0x10, s14  }
0x33: {  	[spmem:s9] =	stream.indirect_vreg.scatter.add.s32 [tilespmem:s12], [sflag:$0x1], $0x1, v0, vm0, $0x4038;
	[tilespmem:$0x1F48] =	vst v63  }
.LBB2_3:
0x34: {  	v0 =	vld.msk [tilespmem:s14+$0x0 ss:$0x1], $0xffff;
	s13 =	sadd.s32 $0x10, s13  }
0x35: {  	p1 =	slt.u32 s13, $0x7C0;
	_ =	sdelay $0x4  }
0x36: {  	v0 =	vmin.u32 v0, $0x80  }
.Ltmp3:
0x37: {  	(pc) =	sbr.rel @p1 .LBB2_3-.Ltmp3, $3  }
0x38: {  	_ =	sdelay $0x1  }
0x39: {  	s14 =	sadd.s32 $0x10, s14;
	s12 =	sadd.s32 $0x10, s12  }
0x3a: {  	[spmem:s9] =	stream.indirect_vreg.scatter.add.s32 [tilespmem:s12], [sflag:$0x1], $0x1, v0, vm0, $0x4038;
	[tilespmem:$0x1F48] =	vst v63  }
.Ltmp4:
0x3b: {  	(pc) =	sbr.rel .LBB2_5-.Ltmp4, $4  }
0x3c: {  	_ = 	snop  }
0x3d: {  	_ =	swait.ge [sflag:s4], $0x7D0  }
0x3e: {  	[sflag:s4] =	ssyncset.done $0x0  }
0x3f: {  	[sflag:s4] =	ssyncadd.s32 $0xFFFFF830  }
.LBB2_6:
0x40: {  	_ =	sfence.sel $0x180000  }
0x41: {  	s2 =	simm.s32 $0x2;
	[bflag:$0x0] =	sbarrier.arrive $0xFFFF  }
0x42: {  	s30 =	simm.s32 $0x1;
	[sflag:s2] =	ssyncpa.u1 $0x1  }
0x43: {  	[sflag:s30] =	ssyncpa.u1 $0x1  }
0x44: {  	_ =	sfence.stream.spmem  }
0x45: {  	s31 =	simm.s32 $0x3D;
	[bflag:$0x0] =	sbarrier.arrive $0xFFFF  }
0x46: {  	s2 =	simm.s32 @p0 $0x3D;
	[sflag:s31] =	ssyncpa.u1 $0x0  }
0x47: {  	[sflag:s2] =	ssyncpa.u1 @p0 $0x1  }
0x48: {  	[bflag:$0x0] =	sbarrier.arrive @p0 $0xFFFF  }
0x49: {  	_ =	strace @p0 $0x9000004D  }
0x4a: {  	s3 =	simm.s32 @!p0 $0x1C3D;
	s2 =	simm.s32 @!p0 $0x0;
	[bflag:$0x2] =	sbarrier.arrive @p0 $0xFFFF  }
0x4b: {  	[hbm:s1], [sflag:s3] =	dma.local @!p0 [spmem:s2], $0x10  }
0x4c: {  	s1 =	simm.s32 @!p0 $0x3D  }
0x4d: {  	_ =	swait.ge @!p0 [sflag:s1], $0x10  }
0x4e: {  	[sflag:s1] =	ssyncset.done @!p0 $0x0  }
0x4f: {  	[sflag:s1] =	ssyncadd.s32 @!p0 $0xFFFFFFF0  }
0x50: {  	[sflag:s1] =	ssyncpa.u1 @!p0 $0x1  }
0x51: {  	[bflag:$0x0] =	sbarrier.arrive @!p0 $0xFFFF  }
0x52: {  	_ =	strace @!p0 $0x9000004D  }
0x53: {  	s0 =	sadd.s32 @!p0 $0x100000, s0;
	[bflag:$0x2] =	sbarrier.arrive @!p0 $0xFFFF  }
0x54: {  	[sflag:s0] =	ssyncadd.tile.s32 @!p0 $0x1;
	_ =	shalt  }
.Lfunc_end2:
_tile_overlayer_lowered:
.L_overlay_start_2:
0x55: {  	(tag) =	ssettag $0x2  }
0x56: {  	s0 =	rddreg [dreg:$0x0];
	s2 =	stileid.u32  }
0x57: {  	s1 =	rddreg [dreg:$0x1];
	p0 =	sne.s32 s2, $0x0  }
0x58: {  	s3 =	rddreg [dreg:$0x2];
	[bflag:$0x3] =	sbarrier.arrive $0xFFFF;
	s2 =	simm.s32 @!p0 $0x1C01  }
0x59: {  	[timem:s3], [sflag:s2] =	dma.local @!p0 [hbm:s0], s1  }
0x5a: {  	s0 =	simm.s32 @!p0 $0x1  }
0x5b: {  	_ =	swait.ge @!p0 [sflag:s0], s1  }
0x5c: {  	s1 =	ssub.s32 @!p0 $0x0, s1;
	[sflag:s0] =	ssyncset.done @!p0 $0x0  }
0x5d: {  	[sflag:s0] =	ssyncadd.s32 @!p0 s1  }
0x5e: {  	[bflag:$0x3] =	sbarrier.arrive $0xFFFF  }
0x5f: {  	_ =	shalt  }

// kernel: scatter_offload_async_start
scs
__scs_entry_jumppad:
0x0: {  	(pc) =	sbr.rel $0x88, $3  }
0x1: {  	(tag) =	ssettag $0x0;
	lr =	simm.s32 $0x1  }
0x2: {  	[smem:$0x3F9B] =	sst lr;
	_ =	strace $0xD0000000  }
0x3: {  	_ = 	snop  }
0x4: {  	_ = 	snop  }
0x5: {  	_ = 	snop  }
0x6: {  	_ = 	snop  }
0x7: {  	_ = 	snop  }
__scs_overlays_trampoline_lowered:
0x8: {  	[smem:$0x3FAA] =	sst s0  }
0x9: {  	[smem:$0x3FAB] =	sst s1  }
0xa: {  	[smem:$0x3FAC] =	sst s2  }
0xb: {  	[smem:$0x3FAD] =	sst s3  }
0xc: {  	[smem:$0x3FAE] =	sst s4  }
0xd: {  	[smem:$0x3FAF] =	sst s5  }
0xe: {  	[smem:$0x3FB0] =	sst s6  }
0xf: {  	[smem:$0x3FB1] =	sst s7  }
0x10: {  	[smem:$0x3FB2] =	sst s8  }
0x11: {  	[smem:$0x3FB3] =	sst s9;
	s0 =	simm.s32 @!p0 $0x0  }
0x12: {  	s1 =	sld [smem:$0x3F99];
	s0 =	simm.s32 @p0 $0x1  }
0x13: {  	[smem:$0x3FB4] =	sst s0;
	s0 =	simm.s32 @!p1 $0x0  }
0x14: {  	s2 =	sld [smem:$0x3F98];
	s0 =	simm.s32 @p1 $0x1  }
0x15: {  	[smem:$0x3FB5] =	sst s0;
	s0 =	simm.s32 @!p2 $0x0  }
0x16: {  	s3 =	sld [smem:$0x3FDB];
	s0 =	simm.s32 @p2 $0x1  }
0x17: {  	s4 =	simm.s32 $0x1BF5;
	[smem:$0x3FB7] =	sst s0  }
0x18: {  	s0 =	sld [smem:$0x3F9A];
	_ =	swait.ge [sflag:s4], $0x0  }
0x19: {  	s7 =	sld [smem:$0x3F9B]  }
0x1a: {  	s8 =	sadd.s32 $0xFFFFE003, lr  }
0x1b: {  	s9 =	sadd.s32 $0xFFFFFEF7, lr;
	s5 =	simm.s32 $0xFFFFFFFF;
	p2 =	slt.u32 s8, $0xFFFFF086  }
0x1c: {  	p1 =	slt.u32 s9, $0xF7A;
	s5 =	simm.s32 @!p2 $0x0  }
0x1d: {  	s5 =	simm.s32 @p1 $0x1;
	p0 =	seq.s32 s7, s2  }
0x1e: {  	s7 =	smul.u32 @!p0 $0xF7A, s2;
	p2 =	seq.s32 @!p0 s5, $0x0  }
0x1f: {  	s9 =	smul.u32 $0xF7A, s1;
	s8 =	simm.s32 @!p0 $0x1BF5;
	p2 =	por !p2, p0  }
0x20: {  	[sflag:s8] =	ssyncset.s32 @!p0 $0xFFFFF086;
	s6 =	sadd.s32 @!p0 s3, s7;
	s7 =	simm.s32 @!p0 $0x108  }
0x21: {  	s3 =	sadd.s32 s3, s9;
	s6 =	sadd.s32 @!p0 $0x88, s6;
	s7 =	simm.s32 @p2 $0x1082  }
0x22: {  	[simem:s7], [sflag:s8] =	dma.local @!p0 [hbm:s6], $0xF7A  }
0x23: {  	s9 =	sor.u32 $0xD0000000, s2;
	s6 =	simm.s32 $0x108;
	_ =	swait.ge @!p0 [sflag:s8], $0x0  }
0x24: {  	s3 =	sadd.s32 $0x88, s3;
	s6 =	simm.s32 @!p1 $0x1082;
	[sflag:s4] =	ssyncset.s32 $0xFFFFF086  }
0x25: {  	[simem:s6], [sflag:s4] =	dma.local [hbm:s3], $0xF7A  }
0x26: {  	[smem:$0x3F9B] =	sst s1;
	(tag) =	ssettag s2;
	_ =	strace s9  }
0x27: {  	s1 =	sld [smem:$0x3FAB]  }
0x28: {  	s2 =	sld [smem:$0x3FAC]  }
0x29: {  	s4 =	sld [smem:$0x3FAE]  }
0x2a: {  	p0 =	seq.s32 s5, $0x0;
	s5 =	sld [smem:$0x3FAF]  }
0x2b: {  	s6 =	sld [smem:$0x3FB0]  }
0x2c: {  	s7 =	sld [smem:$0x3FB1]  }
0x2d: {  	s3 =	simm.s32 $0x108;
	s8 =	sld [smem:$0x3FB2]  }
0x2e: {  	s3 =	simm.s32 @!p0 $0x1082;
	s9 =	sld [smem:$0x3FB3]  }
0x2f: {  	lr =	sadd.s32 s0, s3;
	s0 =	sld [smem:$0x3FAA]  }
0x30: {  	s3 =	sld [smem:$0x3FAD]  }
0x31: {  	[smem:$0x3FB6] =	sst s10  }
0x32: {  	s10 =	sld [smem:$0x3FB4];
	_ =	sdelay $0x3  }
0x33: {  	p0 =	seq.s32 s10, $0x1;
	s10 =	sld [smem:$0x3FB6];
	_ =	sdelay $0x3  }
0x34: {  	[smem:$0x3FB6] =	sst s10  }
0x35: {  	s10 =	sld [smem:$0x3FB5];
	_ =	sdelay $0x3  }
0x36: {  	p1 =	seq.s32 s10, $0x1;
	s10 =	sld [smem:$0x3FB6];
	_ =	sdelay $0x3  }
0x37: {  	[smem:$0x3FB6] =	sst s10  }
0x38: {  	s10 =	sld [smem:$0x3FB7]  }
0x39: {  	_ = 	snop;
	(pc) =	sbr.ind lr, $3  }
0x3a: {  	_ = 	snop  }
0x3b: {  	_ = 	snop  }
0x3c: {  	p2 =	seq.s32 s10, $0x1;
	s10 =	sld [smem:$0x3FB6]  }
0x3d: {  	_ =	shalt  }
0x3e: {  	_ =	shalt  }
0x3f: {  	_ =	shalt  }
0x40: {  	_ =	shalt  }
0x41: {  	_ =	shalt  }
0x42: {  	_ =	shalt  }
0x43: {  	_ =	shalt  }
0x44: {  	_ =	shalt  }
0x45: {  	_ =	shalt  }
0x46: {  	_ =	shalt  }
0x47: {  	_ =	shalt  }
0x48: {  	_ =	shalt  }
0x49: {  	_ =	shalt  }
0x4a: {  	_ =	shalt  }
0x4b: {  	_ =	shalt  }
0x4c: {  	_ =	shalt  }
0x4d: {  	_ =	shalt  }
0x4e: {  	_ =	shalt  }
0x4f: {  	_ =	shalt  }
0x50: {  	_ =	shalt  }
0x51: {  	_ =	shalt  }
0x52: {  	_ =	shalt  }
0x53: {  	_ =	shalt  }
0x54: {  	_ =	shalt  }
0x55: {  	_ =	shalt  }
0x56: {  	_ =	shalt  }
0x57: {  	_ =	shalt  }
0x58: {  	_ =	shalt  }
0x59: {  	_ =	shalt  }
0x5a: {  	_ =	shalt  }
0x5b: {  	_ =	shalt  }
0x5c: {  	_ =	shalt  }
0x5d: {  	_ =	shalt  }
0x5e: {  	_ =	shalt  }
0x5f: {  	_ =	shalt  }
0x60: {  	_ =	shalt  }
0x61: {  	_ =	shalt  }
0x62: {  	_ =	shalt  }
0x63: {  	_ =	shalt  }
0x64: {  	_ =	shalt  }
0x65: {  	_ =	shalt  }
0x66: {  	_ =	shalt  }
0x67: {  	_ =	shalt  }
0x68: {  	_ =	shalt  }
0x69: {  	_ =	shalt  }
0x6a: {  	_ =	shalt  }
0x6b: {  	_ =	shalt  }
0x6c: {  	_ =	shalt  }
0x6d: {  	_ =	shalt  }
0x6e: {  	_ =	shalt  }
0x6f: {  	_ =	shalt  }
0x70: {  	_ =	shalt  }
0x71: {  	_ =	shalt  }
0x72: {  	_ =	shalt  }
0x73: {  	_ =	shalt  }
0x74: {  	_ =	shalt  }
0x75: {  	_ =	shalt  }
0x76: {  	_ =	shalt  }
0x77: {  	_ =	shalt  }
0x78: {  	_ =	shalt  }
0x79: {  	_ =	shalt  }
0x7a: {  	_ =	shalt  }
0x7b: {  	_ =	shalt  }
0x7c: {  	_ =	shalt  }
0x7d: {  	_ =	shalt  }
0x7e: {  	_ =	shalt  }
0x7f: {  	_ =	shalt  }
0x80: {  	_ =	shalt  }
0x81: {  	_ =	shalt  }
0x82: {  	_ =	shalt  }
0x83: {  	_ =	shalt  }
0x84: {  	_ =	shalt  }
0x85: {  	_ =	shalt  }
0x86: {  	_ =	shalt  }
0x87: {  	_ =	shalt  }
.Lfunc_end0:
.L_simem_size_0:
called_computation_lowered:
.L_overlay_start_0:
0x88: {  	s0 =	sld [smem:$0x3FD9]  }
0x89: {  	s1 =	sld [smem:$0x3FFE];
	_ =	sdelay $0x3  }
0x8a: {  	s0 =	sadd.s32 s1, s0  }
0x8b: {  	[smem:$0x3FC2] =	sst s0  }
0x8c: {  	_ = 	snop  }
0x8d: {  	s0 =	sld [smem:$0x3FD0];
	_ =	sdelay $0x2  }
0x8e: {  	s3 =	simm.s32 $0xB;
	s12 =	simm.s32 $0x10  }
0x8f: {  	[smem:s12], [sflag:s3] =	dma.local [hbm:s0], $0x1  }
0x90: {  	_ =	swait.eq [sflag:s3], $0x1  }
0x91: {  	s13 =	sld [smem:$0x11];
	[sflag:s3] =	ssyncset.done $0x0  }
0x92: {  	s2 =	sld [smem:$0x12];
	[sflag:s3] =	ssyncadd.s32 $0xFFFFFFFF  }
0x93: {  	s14 =	sld [smem:$0x13];
	(tm) =	ssettm $0x1  }
0x94: {  	s15 =	sld [smem:$0x3FFB];
	_ =	sdelay $0x3  }
0x95: {  	_ =	strace s15  }
0x96: {  	s0 =	sld [smem:$0x3FFC];
	_ =	sdelay $0x3  }
0x97: {  	_ =	strace s0  }
0x98: {  	s0 =	sld [smem:$0x3FFD];
	_ =	sdelay $0x3  }
0x99: {  	_ =	strace s0  }
0x9a: {  	_ =	strace $0x8FFFFFFF  }
0x9b: {  	s16 =	sld [smem:$0x3FDB];
	_ =	sdelay $0x1  }
0x9c: {  	s4 =	simm.s32 $_scs_section_size  }
0x9d: {  	s5 =	simm.s32 $_size__tile_overlayer_lowered;
	s6 =	simm.s32 $_tile_overlayer_lowered  }
0x9e: {  	s7 =	simm.s32 $0x1BFF;
	s17 =	sshll.u32 s6, $0x1;
	s4 =	sadd.s32 s4, s16  }
0x9f: {  	s18 =	simm.s32 $0x0;
	s5 =	sshll.u32 s5, $0x1;
	s6 =	sadd.s32 s17, s4  }
0xa0: {  	[timem:s18], [sflag:s7] =	dma.local [hbm:s6], s5  }
0xa1: {  	_ =	swait.ge [sflag:s7], s5  }
0xa2: {  	s5 =	ssub.s32 $0x0, s5;
	[sflag:s7] =	ssyncset.done $0x0  }
0xa3: {  	[sflag:s7] =	ssyncadd.s32 s5;
	_ =	sdelay $0x1  }
0xa4: {  	s19 =	simm.s32 $0x1B8B  }
0xa5: {  	_ =	swait.ge [sflag:s19], $0x1  }
0xa6: {  	[sflag:s19] =	ssyncset.done $0x0  }
0xa7: {  	s21 =	simm.s32 $0x1B8E;
	s20 =	sld [smem:$0x3FFE];
	[sflag:s19] =	ssyncadd.s32 $0xFFFFFFFF  }
0xa8: {  	s22 =	simm.s32 $execute0_lowered;
	[smem:$0x3FD2] =	sst s21  }
0xa9: {  	s6 =	sshll.u32 s22, $0x1;
	_ =	strace $0x80000046;
	[dreg:$0x1] =	wrdreg $0xFFFFFFFF  }
0xaa: {  	s23 =	simm.s32 $_size_execute0_lowered;
	s6 =	sadd.s32 s4, s6;
	[dreg:$0x0] =	wrdreg $0x0  }
0xab: {  	s7 =	sshll.u32 s23, $0x1;
	[dreg:$0x2] =	wrdreg s6  }
0xac: {  	[dreg:$0x3] =	wrdreg s7  }
0xad: {  	[dreg:$0x4] =	wrdreg $0xC0  }
0xae: {  	s24 =	simm.s32 $execute1_lowered;
	_ =	task [dreg:s18], $0x5FFFF  }
0xaf: {  	s6 =	sshll.u32 s24, $0x1;
	[dreg:$0x1] =	wrdreg $0xFFFFFFFF  }
0xb0: {  	s4 =	sadd.s32 s4, s6;
	[dreg:$0x0] =	wrdreg $0x60  }
0xb1: {  	[dreg:$0x2] =	wrdreg s4  }
0xb2: {  	[dreg:$0x3] =	wrdreg s20  }
0xb3: {  	[dreg:$0x4] =	wrdreg s14  }
0xb4: {  	[dreg:$0x5] =	wrdreg $0x9  }
0xb5: {  	_ =	task.clear_ibuf [dreg:s18], $0x6FFFF;
	_ =	strace $0x90000046  }
0xb6: {  	s25 =	simm.s32 $0x9;
	_ =	strace $0x80000048  }
0xb7: {  	_ =	swait.ge [sflag:s25], $0x1  }
0xb8: {  	[sflag:s25] =	ssyncadd.s32 $0xFFFFFFFF  }
0xb9: {  	_ =	strace $0x90000048  }
0xba: {  	_ =	strace $0x80000049;
	[dreg:$0x1] =	wrdreg $0xFFFFFFFF  }
0xbb: {  	[dreg:$0x0] =	wrdreg $0x2030  }
0xbc: {  	[dreg:$0x2] =	wrdreg s14  }
0xbd: {  	[dreg:$0x3] =	wrdreg s13  }
0xbe: {  	[dreg:$0x4] =	wrdreg s2  }
0xbf: {  	[dreg:$0x5] =	wrdreg $0xA  }
0xc0: {  	_ =	task.clear_ibuf [dreg:s18], $0x6FFFF;
	_ =	strace $0x90000049  }
0xc1: {  	s26 =	simm.s32 $0xA;
	_ =	strace $0x8000004B  }
0xc2: {  	_ =	swait.ge [sflag:s26], $0x1  }
0xc3: {  	[sflag:s26] =	ssyncadd.s32 $0xFFFFFFFF  }
0xc4: {  	_ =	strace $0x9000004B  }
0xc5: {  	_ =	sfence  }
0xc6: {  	s28 =	sld [smem:$0x0];
	_ =	sdelay $0x1  }
0xc7: {  	s29 =	srdreg.scid  }
0xc8: {  	s30 =	sshll.u32 s29, $0xD;
	s31 =	sshrl.u32 s29, $0x2  }
0xc9: {  	s3 =	sand.u32 $0x4000, s30;
	s2 =	sand.u32 $0x1, s29;
	s1 =	sadd.s32 s31, s28  }
0xca: {  	s2 =	sor.u32 s3, s2;
	s1 =	sshll.u32 s1, $0x11  }
0xcb: {  	s1 =	sor.u32 s1, s2  }
0xcc: {  	s1 =	sadd.s32 $0x8F2B, s1  }
0xcd: {  	[sflag:s1] =	ssyncadd.remote.s32 $0x1  }
0xce: {  	_ =	sfence.sel $0xFFFF  }
0xcf: {  	[dreg:$0x0] =	wrdreg $0xFFFFFFFF;
	(pc) =	sbr.abs _section_cstart, $3  }
0xd0: {  	[dreg:$0x1] =	wrdreg $0xFFFFFFFF  }
0xd1: {  	_ =	task.clear_ibuf [dreg:s18], $0x2FFFF;
	_ =	strace $0x9FFFFFFF  }
0xd2: {  	(tm) =	ssettm $0x7FFFFFFF  }
0xd3: {  	_ =	shalt  }
tec
execute0_lowered:
.L_overlay_start_1:
0x0: {  	(tag) =	ssettag $0x1  }
0x1: {  	s4 =	rddreg [dreg:$0x0]  }
0x2: {  	s6 =	rddreg [dreg:$0x1]  }
0x3: {  	s2 =	rddreg [dreg:$0x2]  }
0x4: {  	s0 =	rddreg [dreg:$0x3];
	s3 =	stileid.u32;
	s1 =	simm.s32 $_size_execute1_lowered  }
0x5: {  	[bflag:$0x3] =	sbarrier.arrive $0xFFFF;
	p0 =	sne.s32 s3, $0x0;
	s1 =	sshll.u32 s1, $0x1  }
0x6: {  	s31 =	sshll.u32 s3, $0x3;
	s5 =	simm.s32 @!p0 $0x1C3F;
	s7 =	simm.s32 @!p0 $0x4060  }
0x7: {  	[timem:s7], [sflag:s5] =	dma.local @!p0 [hbm:s4], s1  }
0x8: {  	s7 =	ssub.s32 $0x10, s31  }
0x9: {  	p1 =	sgt.s32 s7, $0x0  }
0xa: {  	s7 =	simm.s32 @!p1 $0x0  }
0xb: {  	s7 =	sand.u32 $0x78, s7  }
0xc: {  	s10 =	simm.s32 $0x3;
	p1 =	sne.s32 s7, $0x0  }
0xd: {  	s10 =	simm.s32 @!p1 $0x2  }
0xe: {  	p3 =	sne.s32 s10, $0x1  }
.Ltmp0:
0xf: {  	s9 =	simm.s32 $0x0;
	s6 =	sadd.s32 s3, s6;
	(pc) =	sbr.rel @!p3 .LBB2_1-.Ltmp0, $4  }
0x10: {  	s8 =	simm.s32 $0x1;
	s13 =	simm.s32 $0xFFFFFFFF;
	s6 =	sadd.s32 $0xCC8000, s6  }
0x11: {  	s4 =	simm.s32 $0x1;
	_ =	strace $0x80000047;
	s7 =	simm.s32 $0x1  }
0x12: {  	s5 =	simm.s32 $0x2;
	[sflag:s4] =	ssyncpa.u1 $0x0;
	s7 =	simm.s32 @!p1 $0x0  }
0x13: {  	[sflag:s5] =	ssyncpa.u1 $0x0;
	p1 =	por $0x0, $0x0;
	p2 =	sle.u32 s7, $0x0  }
0x14: {  	p1 =	sle.u32 s7, $0xFFFFFFFF  }
0x15: {  	s11 =	simm.s32 @!p2 $0x8;
	s12 =	simm.s32 @!p2 $0x0;
	s13 =	simm.s32 @!p1 $0x1  }
0x16: {  	[tilespmem:s11], [sflag:$0x1] =	stream.linear.gather @!p2 [hbm4b:s6+s12], $0x8, $0x38;
	[tilespmem:$0x20] =	vst v63  }
0x17: {  	_ =	swait.ge @!p1 [sflag:s13], $0x8  }
0x18: {  	[sflag:s13] =	ssyncset.done @!p1 $0x0  }
0x19: {  	s9 =	sand.u32 @!p1 $0x8, s9;
	[sflag:s13] =	ssyncadd.s32 @!p1 $0xFFFFFFF8  }
0x1a: {  	v0 =	vld.msk @!p1 [tilespmem:s9+$0x0], $0xff;
	_ =	sdelay $0x2  }
0x1b: {  	p4 =	sne.s32 s10, $0x2  }
.Ltmp1:
0x1c: {  	p3 =	por $0x1, $0x1;
	s9 =	sor.u32 @!p1 $0x10, s9;
	(pc) =	sbr.rel @!p4 .LBB2_4-.Ltmp1, $4  }
0x1d: {  	s11 =	simm.s32 $0x2;
	s12 =	sadd.s32 @!p1 s2, s3;
	s13 =	simm.s32 @!p1 $0x0;
	[tilespmem:s9+$0x0] =	vst.msk @!p1 $0xff, v0  }
0x1e: {  	[hbm4b:s12+s13] =	stream.linear.scatter @!p1 [tilespmem:s9], [sflag:$0x2], $0x8, $0x38;
	[tilespmem:$0x20] =	vst v63  }
0x1f: {  	p2 =	sle.u32 s7, $0x1;
	s12 =	simm.s32 @!p3 $0x2;
	s9 =	simm.s32 $0x8  }
0x20: {  	s13 =	simm.s32 $0x0;
	p1 =	por $0x1, $0x1;
	_ =	swait.ge @!p3 [sflag:s12], $0x8  }
.LBB2_3:
0x21: {  	s14 =	simm.s32 @!p2 $0x8;
	p4 =	sge.u32 s13, s7;
	[sflag:s12] =	ssyncset.done @!p3 $0x0  }
0x22: {  	s13 =	simm.s32 @!p2 $0x0;
	s15 =	simm.s32 @!p4 $0x1;
	[sflag:s12] =	ssyncadd.s32 @!p3 $0xFFFFFFF8  }
0x23: {  	[tilespmem:s14], [sflag:$0x1] =	stream.linear.gather @!p2 [hbm4b:s6+s13], $0x8, $0x38;
	[tilespmem:$0x20] =	vst v63  }
0x24: {  	s13 =	smov.u32 s11;
	s11 =	sadd.s32 $0x1, s11;
	_ =	swait.ge @!p4 [sflag:s15], $0x8  }
0x25: {  	s12 =	sand.u32 @!p4 $0x8, s9;
	p5 =	sne.s32 s11, s10;
	[sflag:s15] =	ssyncset.done @!p4 $0x0  }
0x26: {  	[sflag:s15] =	ssyncadd.s32 @!p4 $0xFFFFFFF8  }
0x27: {  	v0 =	vld.msk @!p4 [tilespmem:s12+$0x0], $0xff;
	_ =	sdelay $0x2  }
.Ltmp2:
0x28: {  	s14 =	sor.u32 @!p4 $0x10, s12;
	(pc) =	sbr.rel @p5 .LBB2_3-.Ltmp2, $4  }
0x29: {  	s16 =	simm.s32 @!p4 $0x0;
	p3 =	slt.u32 s8, $0x2;
	s15 =	sadd.s32 @!p4 s2, s3  }
0x2a: {  	s9 =	sadd.s32 $0x8, s9;
	s8 =	smov.u32 s13;
	s12 =	simm.s32 @!p3 $0x2;
	[tilespmem:s14+$0x0] =	vst.msk @!p4 $0xff, v0  }
0x2b: {  	[hbm4b:s15+s16] =	stream.linear.scatter @!p4 [tilespmem:s14], [sflag:$0x2], $0x8, $0x38;
	[tilespmem:$0x20] =	vst v63  }
0x2c: {  	p2 =	sge.u32 s8, s7;
	s13 =	sadd.s32 $0xFFFFFFFF, s8;
	_ =	swait.ge @!p3 [sflag:s12], $0x8  }
.LBB2_4:
0x2d: {  	p3 =	por p3, !p1  }
0x2e: {  	s10 =	simm.s32 @!p2 $0x8;
	p1 =	sge.u32 s13, s7;
	[sflag:s12] =	ssyncset.done @!p3 $0x0  }
0x2f: {  	s7 =	simm.s32 @!p2 $0x0;
	s11 =	simm.s32 @!p1 $0x1;
	[sflag:s12] =	ssyncadd.s32 @!p3 $0xFFFFFFF8  }
0x30: {  	[tilespmem:s10], [sflag:$0x1] =	stream.linear.gather @!p2 [hbm4b:s6+s7], $0x8, $0x38;
	[tilespmem:$0x20] =	vst v63  }
0x31: {  	_ =	swait.ge @!p1 [sflag:s11], $0x8  }
0x32: {  	[sflag:s11] =	ssyncset.done @!p1 $0x0  }
0x33: {  	s6 =	sand.u32 @!p1 $0x8, s9;
	[sflag:s11] =	ssyncadd.s32 @!p1 $0xFFFFFFF8  }
0x34: {  	v0 =	vld.msk @!p1 [tilespmem:s6+$0x0], $0xff;
	_ =	sdelay $0x3  }
0x35: {  	p2 =	slt.u32 s8, $0x2;
	s6 =	sor.u32 @!p1 $0x10, s6  }
0x36: {  	s2 =	sadd.s32 @!p1 s2, s3;
	s3 =	simm.s32 @!p1 $0x0;
	s7 =	simm.s32 @!p2 $0x2;
	[tilespmem:s6+$0x0] =	vst.msk @!p1 $0xff, v0  }
0x37: {  	[hbm4b:s2+s3] =	stream.linear.scatter @!p1 [tilespmem:s6], [sflag:$0x2], $0x8, $0x38;
	[tilespmem:$0x20] =	vst v63  }
0x38: {  	_ =	swait.ge @!p2 [sflag:s7], $0x8  }
0x39: {  	[sflag:s7] =	ssyncset.done @!p2 $0x0  }
0x3a: {  	[sflag:s7] =	ssyncadd.s32 @!p2 $0xFFFFFFF8  }
0x3b: {  	_ =	sfence.sel $0x180000  }
0x3c: {  	[bflag:$0x0] =	sbarrier.arrive $0xFFFF  }
0x3d: {  	[sflag:s4] =	ssyncpa.u1 $0x1  }
0x3e: {  	[sflag:s5] =	ssyncpa.u1 $0x1  }
0x3f: {  	_ =	strace $0x90000047  }
0x40: {  	s0 =	sadd.s32 @!p0 $0x100000, s0;
	[bflag:$0x2] =	sbarrier.arrive $0xFFFF  }
0x41: {  	[sflag:s0] =	ssyncadd.tile.s32 @!p0 $0x1;
	s0 =	simm.s32 @!p0 $0x3F  }
0x42: {  	_ =	swait.ge @!p0 [sflag:s0], s1  }
0x43: {  	s1 =	ssub.s32 @!p0 $0x0, s1;
	[sflag:s0] =	ssyncset.done @!p0 $0x0  }
0x44: {  	[sflag:s0] =	ssyncadd.s32 @!p0 s1  }
0x45: {  	[bflag:$0x3] =	sbarrier.arrive $0xFFFF  }
0x46: {  	_ =	shalt  }
.LBB2_1:
.Ltmp3:
0x47: {  	(pc) =	sbr.rel .LBB2_4-.Ltmp3, $2  }
0x48: {  	_ =	sdelay $0x2  }
0x49: {  	s8 =	simm.s32 $0x0  }
.Lfunc_end2:
execute1_lowered:
.L_overlay_start_2:
0x4a: {  	(tag) =	ssettag $0x2  }
0x4b: {  	s1 =	rddreg [dreg:$0x0]  }
0x4c: {  	s2 =	rddreg [dreg:$0x1]  }
0x4d: {  	s3 =	rddreg [dreg:$0x2]  }
0x4e: {  	s0 =	rddreg [dreg:$0x3]  }
0x4f: {  	s5 =	stileid.u32;
	_ =	strace $0x8000004A;
	s6 =	simm.s32 $0x3E  }
0x50: {  	p0 =	sne.s32 s5, $0x0;
	[sflag:s6] =	ssyncpa.u1 $0x0;
	s29 =	smul.u32 $0x6, s5  }
0x51: {  	s30 =	smin.u32 s5, $0x4;
	s4 =	simm.s32 @!p0 $0x1C3E;
	s7 =	simm.s32 @!p0 $0x0  }
0x52: {  	[spmem:s7], [sflag:s4] =	dma.local @!p0 [hbm:s1], $0x10  }
0x53: {  	s4 =	sadd.s32 s30, s29  }
0x54: {  	p1 =	slt.u32 s5, $0x4;
	s5 =	simm.s32 $0xDAC0;
	s4 =	smul.u32 $0x1F40, s4  }
0x55: {  	s5 =	simm.s32 @!p1 $0xBB80  }
0x56: {  	s5 =	sadd.s32 s5, s4  }
0x57: {  	s5 =	smin.u32 s5, $0xC3500  }
0x58: {  	s8 =	ssub.s32 s5, s4  }
0x59: {  	p1 =	sgt.s32 s8, $0x0  }
0x5a: {  	s8 =	simm.s32 @!p1 $0x0  }
0x5b: {  	s7 =	simm.s32 @!p0 $0x3E;
	s31 =	smulhi.u32 $0x10624DD3, s8  }
0x5c: {  	_ =	swait.ge @!p0 [sflag:s7], $0x10  }
0x5d: {  	[sflag:s7] =	ssyncset.done @!p0 $0x0;
	s9 =	sshrl.u32 s31, $0x9  }
0x5e: {  	[sflag:s7] =	ssyncadd.s32 @!p0 $0xFFFFFFF0;
	s10 =	smul.u32 $0x1F40, s9  }
.Ltmp4:
0x5f: {  	s11 =	simm.s32 $0x0;
	[bflag:$0x0] =	sbarrier.arrive $0xFFFF;
	(pc) =	sbr.rel .LBB3_1-.Ltmp4, $4  }
0x60: {  	s7 =	simm.s32 $0x2;
	[sflag:s6] =	ssyncpa.u1 $0x1;
	s6 =	simm.s32 $0x1  }
0x61: {  	[sflag:s6] =	ssyncpa.u1 $0x0;
	p1 =	sne.s32 s8, s10;
	s8 =	simm.s32 $0x1  }
0x62: {  	(ifvalue) =	ssetifvalue $0x80;
	[sflag:s7] =	ssyncpa.u1 $0x0;
	s8 =	simm.s32 @!p1 $0x0  }
0x63: {  	vm0 =	vmmov $0xffff;
	s10 =	smov.u32 s4;
	s8 =	sadd.s32 s8, s9;
	s9 =	simm.s32 $0x0  }
.LBB3_5:
0x64: {  	p2 =	sne.s32 s11, s8  }
.Ltmp5:
0x65: {  	_ = 	snop;
	(pc) =	sbr.rel @!p2 .LBB3_6-.Ltmp5, $4  }
0x66: {  	_ = 	snop  }
0x67: {  	s12 =	sadd.s32 $0x1F40, s10  }
0x68: {  	s10 =	smov.u32 s4;
	s13 =	sadd.s32 $0x1, s11;
	p1 =	slt.s32 s12, s5  }
0x69: {  	s11 =	smov.u32 s13;
	s10 =	smov.u32 @p1 s12  }
.LBB3_1:
0x6a: {  	p1 =	sge.u32 s11, s8  }
0x6b: {  	s12 =	sxor.u32 @!p1 $0xFFFFFFFF, s11  }
0x6c: {  	s12 =	sand.u32 @!p1 $0x1, s12  }
0x6d: {  	s12 =	smul.u32 @!p1 $0x1F40, s12  }
0x6e: {  	s13 =	sshrl.u32 @!p1 s10, $0x3  }
0x6f: {  	s16 =	sand.u32 @!p1 $0x7, s10;
	s14 =	sadd.s32 @!p1 s2, s13;
	s15 =	sor.u32 @!p1 $0x8, s12  }
0x70: {  	[tilespmem:s15], [sflag:$0x2] =	stream.linear.gather @!p1 [hbm4b:s14+s16], $0x1F40, $0x38;
	[tilespmem:$0x7D08] =	vst v63  }
0x71: {  	s13 =	sadd.s32 @!p1 s3, s13;
	s12 =	sadd.s32 @!p1 $0x3E88, s12  }
0x72: {  	[tilespmem:s12], [sflag:$0x2] =	stream.linear.gather @!p1 [hbm4b:s13+s16], $0x1F40, $0x38;
	[tilespmem:$0x7D08] =	vst v63  }
0x73: {  	p1 =	seq.s32 s11, $0x0  }
.Ltmp6:
0x74: {  	_ = 	snop;
	(pc) =	sbr.rel @p1 .LBB3_5-.Ltmp6, $1  }
0x75: {  	_ =	sdelay $0x3  }
0x76: {  	s12 =	sand.u32 $0x1, s11  }
0x77: {  	_ =	swait.ge [sflag:s7], $0x3E80;
	p1 =	seq.s32 s12, $0x1;
	s12 =	simm.s32 $0x1F40  }
0x78: {  	[sflag:s7] =	ssyncset.done $0x0;
	s12 =	simm.s32 @!p1 $0x0  }
0x79: {  	[sflag:s7] =	ssyncadd.s32 $0xFFFFC180;
	s14 =	sor.u32 $0x8, s12  }
0x7a: {  	v0 =	vld.msk [tilespmem:s14+$0x0 ss:$0x1], $0xffff;
	_ =	sdelay $0x4  }
0x7b: {  	v0 =	vmin.u32 v0, $0x80;
	_ =	sdelay $0x3  }
0x7c: {  	s13 =	simm.s32 $0x0;
	s12 =	sadd.s32 $0x3E88, s12;
	s14 =	sadd.s32 $0x10, s14  }
0x7d: {  	[spmem:s9] =	stream.indirect_vreg.scatter.add.s32 [tilespmem:s12], [sflag:$0x1], $0x1, v0, vm0, $0x4038;
	[tilespmem:$0x7D08] =	vst v63  }
.LBB3_3:
0x7e: {  	v0 =	vld.msk [tilespmem:s14+$0x0 ss:$0x1], $0xffff;
	s13 =	sadd.s32 $0x10, s13  }
0x7f: {  	p1 =	slt.u32 s13, $0x1F30;
	_ =	sdelay $0x4  }
0x80: {  	v0 =	vmin.u32 v0, $0x80  }
.Ltmp7:
0x81: {  	(pc) =	sbr.rel @p1 .LBB3_3-.Ltmp7, $3  }
0x82: {  	_ =	sdelay $0x1  }
0x83: {  	s14 =	sadd.s32 $0x10, s14;
	s12 =	sadd.s32 $0x10, s12  }
0x84: {  	[spmem:s9] =	stream.indirect_vreg.scatter.add.s32 [tilespmem:s12], [sflag:$0x1], $0x1, v0, vm0, $0x4038;
	[tilespmem:$0x7D08] =	vst v63  }
.Ltmp8:
0x85: {  	(pc) =	sbr.rel .LBB3_5-.Ltmp8, $4  }
0x86: {  	_ = 	snop  }
0x87: {  	_ =	swait.ge [sflag:s6], $0x1F40  }
0x88: {  	[sflag:s6] =	ssyncset.done $0x0  }
0x89: {  	[sflag:s6] =	ssyncadd.s32 $0xFFFFE0C0  }
.LBB3_6:
0x8a: {  	_ =	sfence.sel $0x180000  }
0x8b: {  	s2 =	simm.s32 $0x2;
	[bflag:$0x0] =	sbarrier.arrive $0xFFFF  }
0x8c: {  	s30 =	simm.s32 $0x1;
	[sflag:s2] =	ssyncpa.u1 $0x1  }
0x8d: {  	[sflag:s30] =	ssyncpa.u1 $0x1  }
0x8e: {  	_ =	sfence.stream.spmem  }
0x8f: {  	s31 =	simm.s32 $0x3D;
	[bflag:$0x0] =	sbarrier.arrive $0xFFFF  }
0x90: {  	s2 =	simm.s32 @p0 $0x3D;
	[sflag:s31] =	ssyncpa.u1 $0x0  }
0x91: {  	[sflag:s2] =	ssyncpa.u1 @p0 $0x1  }
0x92: {  	[bflag:$0x0] =	sbarrier.arrive @p0 $0xFFFF  }
0x93: {  	_ =	strace @p0 $0x9000004A  }
0x94: {  	s3 =	simm.s32 @!p0 $0x1C3D;
	s2 =	simm.s32 @!p0 $0x0;
	[bflag:$0x2] =	sbarrier.arrive @p0 $0xFFFF  }
0x95: {  	[hbm:s1], [sflag:s3] =	dma.local @!p0 [spmem:s2], $0x10  }
0x96: {  	s1 =	simm.s32 @!p0 $0x3D  }
0x97: {  	_ =	swait.ge @!p0 [sflag:s1], $0x10  }
0x98: {  	[sflag:s1] =	ssyncset.done @!p0 $0x0  }
0x99: {  	[sflag:s1] =	ssyncadd.s32 @!p0 $0xFFFFFFF0  }
0x9a: {  	[sflag:s1] =	ssyncpa.u1 @!p0 $0x1  }
0x9b: {  	[bflag:$0x0] =	sbarrier.arrive @!p0 $0xFFFF  }
0x9c: {  	_ =	strace @!p0 $0x9000004A  }
0x9d: {  	s0 =	sadd.s32 @!p0 $0x100000, s0;
	[bflag:$0x2] =	sbarrier.arrive @!p0 $0xFFFF  }
0x9e: {  	[sflag:s0] =	ssyncadd.tile.s32 @!p0 $0x1;
	_ =	shalt  }
.Lfunc_end3:
_tile_overlayer_lowered:
.L_overlay_start_3:
0x9f: {  	(tag) =	ssettag $0x3  }
0xa0: {  	s0 =	rddreg [dreg:$0x0];
	s2 =	stileid.u32  }
0xa1: {  	s1 =	rddreg [dreg:$0x1];
	p0 =	sne.s32 s2, $0x0  }
0xa2: {  	s3 =	rddreg [dreg:$0x2];
	[bflag:$0x3] =	sbarrier.arrive $0xFFFF;
	s2 =	simm.s32 @!p0 $0x1C01  }
0xa3: {  	[timem:s3], [sflag:s2] =	dma.local @!p0 [hbm:s0], s1  }
0xa4: {  	s0 =	simm.s32 @!p0 $0x1  }
0xa5: {  	_ =	swait.ge @!p0 [sflag:s0], s1  }
0xa6: {  	s1 =	ssub.s32 @!p0 $0x0, s1;
	[sflag:s0] =	ssyncset.done @!p0 $0x0  }
0xa7: {  	[sflag:s0] =	ssyncadd.s32 @!p0 s1  }
0xa8: {  	[bflag:$0x3] =	sbarrier.arrive $0xFFFF  }
0xa9: {  	_ =	shalt  }

</sc_bundles>
